<compile_context>
chip_gen: v7x
topology: tpu7x:2x2x1
jax: 0.10.2.dev20260603
libtpu: 0.0.44.dev20260713+nightly
codegen_flags: <defaults>
</compile_context>

<pallas_src>
import functools

import jax
import jax.numpy as jnp
from jax import lax
from jax.experimental import pallas as pl
from jax.experimental.pallas import tpu as pltpu
from jax.experimental.pallas import tpu_sc as plsc

TOP_K = 5
PROMPT_LEN = 8
PRE = (TOP_K + 1) * PROMPT_LEN + 1

NC = 2
NS = 16
NW = NC * NS
LANES = 16

B = 4
S = 2048
D = 768
RPW = S // NW


def _sc_body(x_hbm, out_hbm, idx, buf0, buf1, gs0, gs1, ss0, ss1):
    wid = lax.axis_index("s") * NC + lax.axis_index("c")
    o = jnp.minimum(56 + wid * RPW, 56 + (NW - 1) * RPW - 8)
    g0 = o - (PRE - 1)
    for j in range(RPW // LANES):
        idx[pl.ds(j * LANES, LANES)] = (
            lax.broadcasted_iota(jnp.int32, (LANES,), 0) + g0 - 1 + j * LANES)
    bufs = (buf0, buf1)
    gsems = (gs0, gs1)
    ssems = (ss0, ss1)
    gds = [None] * B
    sds = [None] * B

    def gstart(b):
        d = pltpu.make_async_copy(
            x_hbm.at[b].at[idx], bufs[b % 2], gsems[b % 2])
        d.start()
        gds[b] = d

    gstart(0)
    for b in range(B):
        if b + 1 < B:
            if b + 1 >= 2:
                sds[b - 1].wait()
            gstart(b + 1)
        gds[b].wait()
        d = pltpu.make_async_copy(
            bufs[b % 2], out_hbm.at[b, pl.ds(o, RPW), :], ssems[b % 2])
        d.start()
        sds[b] = d
    sds[B - 2].wait()
    sds[B - 1].wait()


_sc_copy = functools.partial(
    pl.kernel,
    out_type=jax.ShapeDtypeStruct((B, PRE + S, D), jnp.float32),
    mesh=plsc.VectorSubcoreMesh(core_axis_name="c", subcore_axis_name="s"),
    scratch_types=[
        pltpu.VMEM((RPW,), jnp.int32),
        pltpu.VMEM((RPW, D), jnp.float32),
        pltpu.VMEM((RPW, D), jnp.float32),
        pltpu.SemaphoreType.DMA,
        pltpu.SemaphoreType.DMA,
        pltpu.SemaphoreType.DMA,
        pltpu.SemaphoreType.DMA,
    ],
)(_sc_body)


def _tc_mean_body(x_ref, m_ref):
    m_ref[0] = jnp.sum(x_ref[0], axis=0, keepdims=True) * (1.0 / S)


def _tc_mean(x):
    return pl.pallas_call(
        _tc_mean_body,
        grid=(B,),
        in_specs=[pl.BlockSpec((1, S, D), lambda b: (b, 0, 0))],
        out_specs=pl.BlockSpec((1, 1, D), lambda b: (b, 0, 0)),
        out_shape=jax.ShapeDtypeStruct((B, 1, D), jnp.float32),
    )(x)


def _tc_prefix_body(task_ref, o_in, m_ref, x_ref, g_ref, ep_ref, ek_ref,
                    cls_ref, out_ref, head, stage, seam_sem, pf_sem):
    del o_in
    ek = ek_ref[...]
    kn = ek / jnp.maximum(
        jnp.sqrt(jnp.sum(ek * ek, axis=1, keepdims=True)), 1e-12)
    tid = task_ref[0]
    pf = []
    for b in range(B):
        hin = pltpu.make_async_copy(
            x_ref.at[b, pl.ds(0, 8), :], head.at[0], seam_sem)
        hin.start()
        tin = pltpu.make_async_copy(
            x_ref.at[b, pl.ds(S - 8, 8), :], head.at[1], seam_sem)
        tin.start()
        hin.wait()
        tin.wait()
        hv = head[0]
        tv = head[1]
        stage[0] = jnp.concatenate([cls_ref[...], hv[0:7]], axis=0)
        stage[1] = jnp.concatenate([tv[7:8], tv[0:7]], axis=0)
        d = pltpu.make_async_copy(
            stage.at[0], out_ref.at[b, pl.ds(PRE - 1, 8), :], pf_sem)
        d.start()
        pf.append(d)
        d = pltpu.make_async_copy(
            stage.at[1, pl.ds(0, 1), :],
            out_ref.at[b, pl.ds(PRE - 1 + S, 1), :], pf_sem)
        d.start()
        pf.append(d)
        q = m_ref[b]
        qn = q / jnp.maximum(jnp.sqrt(jnp.sum(q * q)), 1e-12)
        sim = jax.lax.dot_general(
            qn, kn, (((1,), (1,)), ((), ())),
            preferred_element_type=jnp.float32)
        d = pltpu.make_async_copy(
            g_ref.at[pl.ds(tid * PROMPT_LEN, PROMPT_LEN), :],
            out_ref.at[b, pl.ds(0, PROMPT_LEN), :], pf_sem)
        d.start()
        pf.append(d)
        col = lax.broadcasted_iota(jnp.int32, sim.shape, 1)
        for k in range(TOP_K):
            idx = jnp.argmax(sim[0])
            d = pltpu.make_async_copy(
                ep_ref.at[pl.ds(idx * PROMPT_LEN, PROMPT_LEN), :],
                out_ref.at[b, pl.ds((k + 1) * PROMPT_LEN, PROMPT_LEN), :],
                pf_sem)
            d.start()
            pf.append(d)
            sim = jnp.where(col == idx, -jnp.inf, sim)
    for d in pf:
        d.wait()


def kernel(x, g_prompts, e_prompts, e_keys, cls_token, task_id):
    g_flat = g_prompts.reshape(-1, D)
    ep_flat = e_prompts.reshape(-1, D)
    cls2 = cls_token.reshape(1, D)
    task = jnp.asarray(task_id, jnp.int32).reshape(1)
    out1 = _sc_copy(x)
    means = _tc_mean(x)
    return pl.pallas_call(
        _tc_prefix_body,
        in_specs=[
            pl.BlockSpec(memory_space=pltpu.MemorySpace.SMEM),
            pl.BlockSpec(memory_space=pltpu.MemorySpace.HBM),
            pl.BlockSpec(memory_space=pltpu.MemorySpace.VMEM),
            pl.BlockSpec(memory_space=pltpu.MemorySpace.HBM),
            pl.BlockSpec(memory_space=pltpu.MemorySpace.HBM),
            pl.BlockSpec(memory_space=pltpu.MemorySpace.HBM),
            pl.BlockSpec(memory_space=pltpu.MemorySpace.VMEM),
            pl.BlockSpec(memory_space=pltpu.MemorySpace.VMEM),
        ],
        out_specs=pl.BlockSpec(memory_space=pltpu.MemorySpace.HBM),
        out_shape=jax.ShapeDtypeStruct((B, PRE + S, D), jnp.float32),
        input_output_aliases={1: 0},
        scratch_shapes=[
            pltpu.VMEM((2, 8, D), jnp.float32),
            pltpu.VMEM((2, 8, D), jnp.float32),
            pltpu.SemaphoreType.DMA,
            pltpu.SemaphoreType.DMA,
        ],
    )(task, out1, means, x, g_flat, ep_flat, e_keys, cls2)

# --- scband reference (transcript-rebuilt; emitter-appended) ---
"""Pipeline reference for scband-codaprompt-pool-8169027797033 (READ-ONLY COPY).

The authoritative reference and input builder live on the scoring server;
editing this copy changes nothing except your own understanding.
"""

import jax, jax.numpy as jnp
import numpy as np


def _normalize(v, axis):
    n = jnp.linalg.norm(v, axis=axis, keepdims=True)
    return v / jnp.maximum(n, 1e-12)


def setup_inputs(seed: int = 0) -> dict:
    key = jax.random.key(seed)
    ks = jax.random.split(key, 5)
    x = jax.random.normal(ks[0], (4, 2048, 768), dtype=jnp.float32)
    g_prompts = jax.random.normal(ks[1], (10, 8, 768), dtype=jnp.float32) * 0.02
    e_prompts = jax.random.normal(ks[2], (100, 8, 768), dtype=jnp.float32) * 0.02
    e_keys = jax.random.normal(ks[3], (100, 768), dtype=jnp.float32) * 0.02
    cls_token = jax.random.normal(ks[4], (1, 1, 768), dtype=jnp.float32) * 0.02
    return {"x": x, "g_prompts": g_prompts, "e_prompts": e_prompts, "e_keys": e_keys, "cls_token": cls_token, "task_id": 0}


def reference(x, g_prompts, e_prompts, e_keys, cls_token, task_id):
    # Eval-mode forward of CODAPromptPool (no selection noise, no usage counter updates).
    top_k = 5
    B, S, d_model = x.shape
    # x is 3D -> query = mean over sequence
    query = x.mean(axis=1)  # [B, d_model]
    # select_e_prompts: cosine similarity between query and prompt keys
    qn = _normalize(query, 1)
    kn = _normalize(e_keys, 1)
    similarity = qn @ kn.T  # [B, pool_size]
    _, top_k_indices = jax.lax.top_k(similarity, top_k)  # [B, K]
    # gather selected prompts: [B, K, prompt_length, d_model]
    selected_prompts = jnp.take(e_prompts, top_k_indices, axis=0)
    # G-prompt for the given task
    g_prompt = g_prompts[task_id]  # [prompt_length, d_model]
    g_prompt_expanded = jnp.broadcast_to(g_prompt[None, :, :], (B,) + g_prompt.shape)
    e_prompts_flat = selected_prompts.reshape(B, -1, d_model)
    # incorporate_prompts_with_attention: prepend cls token, then prompts
    cls = jnp.broadcast_to(cls_token, (B, 1, d_model))
    x_with_cls = jnp.concatenate([cls, x], axis=1)
    all_prompts = jnp.concatenate([g_prompt_expanded, e_prompts_flat], axis=1)
    x_with_prompts = jnp.concatenate([all_prompts, x_with_cls], axis=1)
    return x_with_prompts

if __name__ == "__main__":
    import jax
    _d = setup_inputs()
    print(jax.jit(kernel)(*tuple(_d.values())))

</pallas_src>

<mosaic_0001>
#map = affine_map<(d0, d1) -> (0, 0, 0)>
module attributes {stable_mosaic.version = 14 : i64} {
  func.func @_sc_body(%arg0: i32, %arg1: i32, %arg2: memref<4x2048x768xf32, #tpu.memory_space<hbm>>, %arg3: memref<4x2097x768xf32, #tpu.memory_space<hbm>>, %arg4: memref<64xi32, #tpu.memory_space<vmem>>, %arg5: memref<64x768xf32, #tpu.memory_space<vmem>>, %arg6: memref<64x768xf32, #tpu.memory_space<vmem>>, %arg7: memref<!tpu.dma_semaphore, #tpu.memory_space<semaphore_mem>>, %arg8: memref<!tpu.dma_semaphore, #tpu.memory_space<semaphore_mem>>, %arg9: memref<!tpu.dma_semaphore, #tpu.memory_space<semaphore_mem>>, %arg10: memref<!tpu.dma_semaphore, #tpu.memory_space<semaphore_mem>>) attributes {dimension_semantics = [#tpu.dimension_semantics<core_parallel>, #tpu.dimension_semantics<subcore_parallel>], iteration_bounds = array<i64: 2, 16>, scalar_prefetch = 0 : i64, scratch_operands = 7 : i64, tpu.core_type = #tpu.core_type<sc_vector_subcore>, window_params = [{transform_indices = #map}, {transform_indices = #map}]} {
    %mul3A = arith.constant 2 : i32
    %mul3A_0 = arith.muli %arg1, %mul3A : i32
    %add3A = arith.addi %mul3A_0, %arg0 : i32
    %mul3A_1 = arith.constant 64 : i32
    %mul3A_2 = arith.muli %add3A, %mul3A_1 : i32
    %add3A_3 = arith.constant 56 : i32
    %add3A_4 = arith.addi %add3A_3, %mul3A_2 : i32
    %min3A = arith.constant 2032 : i32
    %min3A_5 = arith.minsi %add3A_4, %min3A : i32
    %sub3A = arith.constant 48 : i32
    %sub3A_6 = arith.subi %min3A_5, %sub3A : i32
    %iota3A = tpu.iota {dimensions = array<i32: 0>} : vector<16xi32>
    %add3A_7 = vector.broadcast %sub3A_6 : i32 to vector<16xi32>
    %add3A_8 = arith.addi %iota3A, %add3A_7 : vector<16xi32>
    %sub3A_9 = arith.constant 1 : i32
    %sub3A_10 = vector.broadcast %sub3A_9 : i32 to vector<16xi32>
    %sub3A_11 = arith.subi %add3A_8, %sub3A_10 : vector<16xi32>
    %add3A_12 = arith.constant 0 : i32
    %add3A_13 = vector.broadcast %add3A_12 : i32 to vector<16xi32>
    %add3A_14 = arith.addi %sub3A_11, %add3A_13 : vector<16xi32>
    %swap3A = arith.constant 0 : index
    %swap3A_15 = tpu.vector_load %arg4[%swap3A] {strides = array<i32>} : memref<64xi32, #tpu.memory_space<vmem>>, vector<16xi32>,
    %swap3A_16 = vector.shape_cast %swap3A_15 : vector<16xi32> to vector<16xi32>
    %swap3A_17 = vector.shape_cast %add3A_14 : vector<16xi32> to vector<16xi32>
    tpu.vector_store %arg4[%swap3A], %swap3A_17 {strides = array<i32>} : memref<64xi32, #tpu.memory_space<vmem>>, vector<16xi32>,
    %iota3A_18 = tpu.iota {dimensions = array<i32: 0>} : vector<16xi32>
    %add3A_19 = vector.broadcast %sub3A_6 : i32 to vector<16xi32>
    %add3A_20 = arith.addi %iota3A_18, %add3A_19 : vector<16xi32>
    %sub3A_21 = arith.constant 1 : i32
    %sub3A_22 = vector.broadcast %sub3A_21 : i32 to vector<16xi32>
    %sub3A_23 = arith.subi %add3A_20, %sub3A_22 : vector<16xi32>
    %add3A_24 = arith.constant 16 : i32
    %add3A_25 = vector.broadcast %add3A_24 : i32 to vector<16xi32>
    %add3A_26 = arith.addi %sub3A_23, %add3A_25 : vector<16xi32>
    %swap3A_27 = arith.constant 16 : index
    %swap3A_28 = tpu.vector_load %arg4[%swap3A_27] {strides = array<i32>} : memref<64xi32, #tpu.memory_space<vmem>>, vector<16xi32>,
    %swap3A_29 = vector.shape_cast %swap3A_28 : vector<16xi32> to vector<16xi32>
    %swap3A_30 = vector.shape_cast %add3A_26 : vector<16xi32> to vector<16xi32>
    tpu.vector_store %arg4[%swap3A_27], %swap3A_30 {strides = array<i32>} : memref<64xi32, #tpu.memory_space<vmem>>, vector<16xi32>,
    %iota3A_31 = tpu.iota {dimensions = array<i32: 0>} : vector<16xi32>
    %add3A_32 = vector.broadcast %sub3A_6 : i32 to vector<16xi32>
    %add3A_33 = arith.addi %iota3A_31, %add3A_32 : vector<16xi32>
    %sub3A_34 = arith.constant 1 : i32
    %sub3A_35 = vector.broadcast %sub3A_34 : i32 to vector<16xi32>
    %sub3A_36 = arith.subi %add3A_33, %sub3A_35 : vector<16xi32>
    %add3A_37 = arith.constant 32 : i32
    %add3A_38 = vector.broadcast %add3A_37 : i32 to vector<16xi32>
    %add3A_39 = arith.addi %sub3A_36, %add3A_38 : vector<16xi32>
    %swap3A_40 = arith.constant 32 : index
    %swap3A_41 = tpu.vector_load %arg4[%swap3A_40] {strides = array<i32>} : memref<64xi32, #tpu.memory_space<vmem>>, vector<16xi32>,
    %swap3A_42 = vector.shape_cast %swap3A_41 : vector<16xi32> to vector<16xi32>
    %swap3A_43 = vector.shape_cast %add3A_39 : vector<16xi32> to vector<16xi32>
    tpu.vector_store %arg4[%swap3A_40], %swap3A_43 {strides = array<i32>} : memref<64xi32, #tpu.memory_space<vmem>>, vector<16xi32>,
    %iota3A_44 = tpu.iota {dimensions = array<i32: 0>} : vector<16xi32>
    %add3A_45 = vector.broadcast %sub3A_6 : i32 to vector<16xi32>
    %add3A_46 = arith.addi %iota3A_44, %add3A_45 : vector<16xi32>
    %sub3A_47 = arith.constant 1 : i32
    %sub3A_48 = vector.broadcast %sub3A_47 : i32 to vector<16xi32>
    %sub3A_49 = arith.subi %add3A_46, %sub3A_48 : vector<16xi32>
    %add3A_50 = arith.constant 48 : i32
    %add3A_51 = vector.broadcast %add3A_50 : i32 to vector<16xi32>
    %add3A_52 = arith.addi %sub3A_49, %add3A_51 : vector<16xi32>
    %swap3A_53 = arith.constant 48 : index
    %swap3A_54 = tpu.vector_load %arg4[%swap3A_53] {strides = array<i32>} : memref<64xi32, #tpu.memory_space<vmem>>, vector<16xi32>,
    %swap3A_55 = vector.shape_cast %swap3A_54 : vector<16xi32> to vector<16xi32>
    %swap3A_56 = vector.shape_cast %add3A_52 : vector<16xi32> to vector<16xi32>
    tpu.vector_store %arg4[%swap3A_53], %swap3A_56 {strides = array<i32>} : memref<64xi32, #tpu.memory_space<vmem>>, vector<16xi32>,
    %dma_start3A = arith.constant 0 : i32
    %dma_start3A_57 = arith.constant 0 : i32
    %dma_start3A_58 = arith.constant 0 : i32
    %dma_start3A_59 = tpu.memref_slice %arg2[%dma_start3A, %dma_start3A_57, %dma_start3A_58] : memref<4x2048x768xf32, #tpu.memory_space<hbm>> -> memref<1x2048x768xf32, #tpu.memory_space<hbm>>
    %dma_start3A_60 = tpu.memref_squeeze %dma_start3A_59 : memref<1x2048x768xf32, #tpu.memory_space<hbm>> -> memref<2048x768xf32, #tpu.memory_space<hbm>>
    %dma_start3A_61 = arith.constant 0 : i32
    %dma_start3A_62 = arith.constant 0 : i32
    %dma_start3A_63 = tpu.memref_slice %dma_start3A_60[%dma_start3A_61, %dma_start3A_62] : memref<2048x768xf32, #tpu.memory_space<hbm>> -> memref<2048x768xf32, #tpu.memory_space<hbm>>
    tpu.enqueue_indirect_dma source(%dma_start3A_63 : memref<2048x768xf32, #tpu.memory_space<hbm>>) target(%arg5 : memref<64x768xf32, #tpu.memory_space<vmem>>) offsets(%arg4 : memref<64xi32, #tpu.memory_space<vmem>>) semaphore(%arg7 : memref<!tpu.dma_semaphore, #tpu.memory_space<semaphore_mem>>)
    %dma_start3A_64 = arith.constant 1 : i32
    %dma_start3A_65 = arith.constant 0 : i32
    %dma_start3A_66 = arith.constant 0 : i32
    %dma_start3A_67 = tpu.memref_slice %arg2[%dma_start3A_64, %dma_start3A_65, %dma_start3A_66] : memref<4x2048x768xf32, #tpu.memory_space<hbm>> -> memref<1x2048x768xf32, #tpu.memory_space<hbm>>
    %dma_start3A_68 = tpu.memref_squeeze %dma_start3A_67 : memref<1x2048x768xf32, #tpu.memory_space<hbm>> -> memref<2048x768xf32, #tpu.memory_space<hbm>>
    %dma_start3A_69 = arith.constant 0 : i32
    %dma_start3A_70 = arith.constant 0 : i32
    %dma_start3A_71 = tpu.memref_slice %dma_start3A_68[%dma_start3A_69, %dma_start3A_70] : memref<2048x768xf32, #tpu.memory_space<hbm>> -> memref<2048x768xf32, #tpu.memory_space<hbm>>
    tpu.enqueue_indirect_dma source(%dma_start3A_71 : memref<2048x768xf32, #tpu.memory_space<hbm>>) target(%arg6 : memref<64x768xf32, #tpu.memory_space<vmem>>) offsets(%arg4 : memref<64xi32, #tpu.memory_space<vmem>>) semaphore(%arg8 : memref<!tpu.dma_semaphore, #tpu.memory_space<semaphore_mem>>)
    %dma_wait3A = arith.constant 0 : i32
    %dma_wait3A_72 = arith.constant 0 : i32
    %dma_wait3A_73 = arith.constant 0 : i32
    %dma_wait3A_74 = tpu.memref_slice %arg2[%dma_wait3A, %dma_wait3A_72, %dma_wait3A_73] : memref<4x2048x768xf32, #tpu.memory_space<hbm>> -> memref<1x2048x768xf32, #tpu.memory_space<hbm>>
    %dma_wait3A_75 = tpu.memref_squeeze %dma_wait3A_74 : memref<1x2048x768xf32, #tpu.memory_space<hbm>> -> memref<2048x768xf32, #tpu.memory_space<hbm>>
    %dma_wait3A_76 = arith.constant 0 : i32
    %dma_wait3A_77 = arith.constant 0 : i32
    %dma_wait3A_78 = tpu.memref_slice %dma_wait3A_75[%dma_wait3A_76, %dma_wait3A_77] : memref<2048x768xf32, #tpu.memory_space<hbm>> -> memref<2048x768xf32, #tpu.memory_space<hbm>>
    tpu.wait_indirect_dma semaphore(%arg7 : memref<!tpu.dma_semaphore, #tpu.memory_space<semaphore_mem>>) src(%dma_wait3A_78 : memref<2048x768xf32, #tpu.memory_space<hbm>>) dst(%arg5 : memref<64x768xf32, #tpu.memory_space<vmem>>)
    %dma_start3A_79 = arith.constant 0 : i32
    %dma_start3A_80 = arith.constant 0 : i32
    %dma_start3A_81 = tpu.memref_slice %arg3[%dma_start3A_79, %min3A_5, %dma_start3A_80] : memref<4x2097x768xf32, #tpu.memory_space<hbm>> -> memref<1x64x768xf32, #tpu.memory_space<hbm>>
    %dma_start3A_82 = tpu.memref_squeeze %dma_start3A_81 : memref<1x64x768xf32, #tpu.memory_space<hbm>> -> memref<64x768xf32, #tpu.memory_space<hbm>>
    %dma_start3A_83 = arith.constant 0 : i32
    %dma_start3A_84 = tpu.memref_slice %arg3[%dma_start3A_79, %min3A_5, %dma_start3A_83] : memref<4x2097x768xf32, #tpu.memory_space<hbm>> -> memref<1x64x768xf32, #tpu.memory_space<hbm>>
    %dma_start3A_85 = tpu.memref_squeeze %dma_start3A_84 : memref<1x64x768xf32, #tpu.memory_space<hbm>> -> memref<64x768xf32, #tpu.memory_space<hbm>>
    tpu.enqueue_dma source(%arg5 : memref<64x768xf32, #tpu.memory_space<vmem>>) target(%dma_start3A_85 : memref<64x768xf32, #tpu.memory_space<hbm>>) target_semaphore(%arg9 : memref<!tpu.dma_semaphore, #tpu.memory_space<semaphore_mem>>)
    %dma_wait3A_86 = arith.constant 0 : i32
    %dma_wait3A_87 = arith.constant 0 : i32
    %dma_wait3A_88 = tpu.memref_slice %arg3[%dma_wait3A_86, %min3A_5, %dma_wait3A_87] : memref<4x2097x768xf32, #tpu.memory_space<hbm>> -> memref<1x64x768xf32, #tpu.memory_space<hbm>>
    %dma_wait3A_89 = tpu.memref_squeeze %dma_wait3A_88 : memref<1x64x768xf32, #tpu.memory_space<hbm>> -> memref<64x768xf32, #tpu.memory_space<hbm>>
    %dma_wait3A_90 = arith.constant 0 : i32
    %dma_wait3A_91 = tpu.memref_slice %arg3[%dma_wait3A_86, %min3A_5, %dma_wait3A_90] : memref<4x2097x768xf32, #tpu.memory_space<hbm>> -> memref<1x64x768xf32, #tpu.memory_space<hbm>>
    %dma_wait3A_92 = tpu.memref_squeeze %dma_wait3A_91 : memref<1x64x768xf32, #tpu.memory_space<hbm>> -> memref<64x768xf32, #tpu.memory_space<hbm>>
    tpu.wait_dma2 semaphore(%arg9 : memref<!tpu.dma_semaphore, #tpu.memory_space<semaphore_mem>>) src(%arg5 : memref<64x768xf32, #tpu.memory_space<vmem>>) dst(%dma_wait3A_92 : memref<64x768xf32, #tpu.memory_space<hbm>>)
    %dma_start3A_93 = arith.constant 2 : i32
    %dma_start3A_94 = arith.constant 0 : i32
    %dma_start3A_95 = arith.constant 0 : i32
    %dma_start3A_96 = tpu.memref_slice %arg2[%dma_start3A_93, %dma_start3A_94, %dma_start3A_95] : memref<4x2048x768xf32, #tpu.memory_space<hbm>> -> memref<1x2048x768xf32, #tpu.memory_space<hbm>>
    %dma_start3A_97 = tpu.memref_squeeze %dma_start3A_96 : memref<1x2048x768xf32, #tpu.memory_space<hbm>> -> memref<2048x768xf32, #tpu.memory_space<hbm>>
    %dma_start3A_98 = arith.constant 0 : i32
    %dma_start3A_99 = arith.constant 0 : i32
    %dma_start3A_100 = tpu.memref_slice %dma_start3A_97[%dma_start3A_98, %dma_start3A_99] : memref<2048x768xf32, #tpu.memory_space<hbm>> -> memref<2048x768xf32, #tpu.memory_space<hbm>>
    tpu.enqueue_indirect_dma source(%dma_start3A_100 : memref<2048x768xf32, #tpu.memory_space<hbm>>) target(%arg5 : memref<64x768xf32, #tpu.memory_space<vmem>>) offsets(%arg4 : memref<64xi32, #tpu.memory_space<vmem>>) semaphore(%arg7 : memref<!tpu.dma_semaphore, #tpu.memory_space<semaphore_mem>>)
    %dma_wait3A_101 = arith.constant 1 : i32
    %dma_wait3A_102 = arith.constant 0 : i32
    %dma_wait3A_103 = arith.constant 0 : i32
    %dma_wait3A_104 = tpu.memref_slice %arg2[%dma_wait3A_101, %dma_wait3A_102, %dma_wait3A_103] : memref<4x2048x768xf32, #tpu.memory_space<hbm>> -> memref<1x2048x768xf32, #tpu.memory_space<hbm>>
    %dma_wait3A_105 = tpu.memref_squeeze %dma_wait3A_104 : memref<1x2048x768xf32, #tpu.memory_space<hbm>> -> memref<2048x768xf32, #tpu.memory_space<hbm>>
    %dma_wait3A_106 = arith.constant 0 : i32
    %dma_wait3A_107 = arith.constant 0 : i32
    %dma_wait3A_108 = tpu.memref_slice %dma_wait3A_105[%dma_wait3A_106, %dma_wait3A_107] : memref<2048x768xf32, #tpu.memory_space<hbm>> -> memref<2048x768xf32, #tpu.memory_space<hbm>>
    tpu.wait_indirect_dma semaphore(%arg8 : memref<!tpu.dma_semaphore, #tpu.memory_space<semaphore_mem>>) src(%dma_wait3A_108 : memref<2048x768xf32, #tpu.memory_space<hbm>>) dst(%arg6 : memref<64x768xf32, #tpu.memory_space<vmem>>)
    %dma_start3A_109 = arith.constant 1 : i32
    %dma_start3A_110 = arith.constant 0 : i32
    %dma_start3A_111 = tpu.memref_slice %arg3[%dma_start3A_109, %min3A_5, %dma_start3A_110] : memref<4x2097x768xf32, #tpu.memory_space<hbm>> -> memref<1x64x768xf32, #tpu.memory_space<hbm>>
    %dma_start3A_112 = tpu.memref_squeeze %dma_start3A_111 : memref<1x64x768xf32, #tpu.memory_space<hbm>> -> memref<64x768xf32, #tpu.memory_space<hbm>>
    %dma_start3A_113 = arith.constant 0 : i32
    %dma_start3A_114 = tpu.memref_slice %arg3[%dma_start3A_109, %min3A_5, %dma_start3A_113] : memref<4x2097x768xf32, #tpu.memory_space<hbm>> -> memref<1x64x768xf32, #tpu.memory_space<hbm>>
    %dma_start3A_115 = tpu.memref_squeeze %dma_start3A_114 : memref<1x64x768xf32, #tpu.memory_space<hbm>> -> memref<64x768xf32, #tpu.memory_space<hbm>>
    tpu.enqueue_dma source(%arg6 : memref<64x768xf32, #tpu.memory_space<vmem>>) target(%dma_start3A_115 : memref<64x768xf32, #tpu.memory_space<hbm>>) target_semaphore(%arg10 : memref<!tpu.dma_semaphore, #tpu.memory_space<semaphore_mem>>)
    %dma_wait3A_116 = arith.constant 1 : i32
    %dma_wait3A_117 = arith.constant 0 : i32
    %dma_wait3A_118 = tpu.memref_slice %arg3[%dma_wait3A_116, %min3A_5, %dma_wait3A_117] : memref<4x2097x768xf32, #tpu.memory_space<hbm>> -> memref<1x64x768xf32, #tpu.memory_space<hbm>>
    %dma_wait3A_119 = tpu.memref_squeeze %dma_wait3A_118 : memref<1x64x768xf32, #tpu.memory_space<hbm>> -> memref<64x768xf32, #tpu.memory_space<hbm>>
    %dma_wait3A_120 = arith.constant 0 : i32
    %dma_wait3A_121 = tpu.memref_slice %arg3[%dma_wait3A_116, %min3A_5, %dma_wait3A_120] : memref<4x2097x768xf32, #tpu.memory_space<hbm>> -> memref<1x64x768xf32, #tpu.memory_space<hbm>>
    %dma_wait3A_122 = tpu.memref_squeeze %dma_wait3A_121 : memref<1x64x768xf32, #tpu.memory_space<hbm>> -> memref<64x768xf32, #tpu.memory_space<hbm>>
    tpu.wait_dma2 semaphore(%arg10 : memref<!tpu.dma_semaphore, #tpu.memory_space<semaphore_mem>>) src(%arg6 : memref<64x768xf32, #tpu.memory_space<vmem>>) dst(%dma_wait3A_122 : memref<64x768xf32, #tpu.memory_space<hbm>>)
    %dma_start3A_123 = arith.constant 3 : i32
    %dma_start3A_124 = arith.constant 0 : i32
    %dma_start3A_125 = arith.constant 0 : i32
    %dma_start3A_126 = tpu.memref_slice %arg2[%dma_start3A_123, %dma_start3A_124, %dma_start3A_125] : memref<4x2048x768xf32, #tpu.memory_space<hbm>> -> memref<1x2048x768xf32, #tpu.memory_space<hbm>>
    %dma_start3A_127 = tpu.memref_squeeze %dma_start3A_126 : memref<1x2048x768xf32, #tpu.memory_space<hbm>> -> memref<2048x768xf32, #tpu.memory_space<hbm>>
    %dma_start3A_128 = arith.constant 0 : i32
    %dma_start3A_129 = arith.constant 0 : i32
    %dma_start3A_130 = tpu.memref_slice %dma_start3A_127[%dma_start3A_128, %dma_start3A_129] : memref<2048x768xf32, #tpu.memory_space<hbm>> -> memref<2048x768xf32, #tpu.memory_space<hbm>>
    tpu.enqueue_indirect_dma source(%dma_start3A_130 : memref<2048x768xf32, #tpu.memory_space<hbm>>) target(%arg6 : memref<64x768xf32, #tpu.memory_space<vmem>>) offsets(%arg4 : memref<64xi32, #tpu.memory_space<vmem>>) semaphore(%arg8 : memref<!tpu.dma_semaphore, #tpu.memory_space<semaphore_mem>>)
    %dma_wait3A_131 = arith.constant 2 : i32
    %dma_wait3A_132 = arith.constant 0 : i32
    %dma_wait3A_133 = arith.constant 0 : i32
    %dma_wait3A_134 = tpu.memref_slice %arg2[%dma_wait3A_131, %dma_wait3A_132, %dma_wait3A_133] : memref<4x2048x768xf32, #tpu.memory_space<hbm>> -> memref<1x2048x768xf32, #tpu.memory_space<hbm>>
    %dma_wait3A_135 = tpu.memref_squeeze %dma_wait3A_134 : memref<1x2048x768xf32, #tpu.memory_space<hbm>> -> memref<2048x768xf32, #tpu.memory_space<hbm>>
    %dma_wait3A_136 = arith.constant 0 : i32
    %dma_wait3A_137 = arith.constant 0 : i32
    %dma_wait3A_138 = tpu.memref_slice %dma_wait3A_135[%dma_wait3A_136, %dma_wait3A_137] : memref<2048x768xf32, #tpu.memory_space<hbm>> -> memref<2048x768xf32, #tpu.memory_space<hbm>>
    tpu.wait_indirect_dma semaphore(%arg7 : memref<!tpu.dma_semaphore, #tpu.memory_space<semaphore_mem>>) src(%dma_wait3A_138 : memref<2048x768xf32, #tpu.memory_space<hbm>>) dst(%arg5 : memref<64x768xf32, #tpu.memory_space<vmem>>)
    %dma_start3A_139 = arith.constant 2 : i32
    %dma_start3A_140 = arith.constant 0 : i32
    %dma_start3A_141 = tpu.memref_slice %arg3[%dma_start3A_139, %min3A_5, %dma_start3A_140] : memref<4x2097x768xf32, #tpu.memory_space<hbm>> -> memref<1x64x768xf32, #tpu.memory_space<hbm>>
    %dma_start3A_142 = tpu.memref_squeeze %dma_start3A_141 : memref<1x64x768xf32, #tpu.memory_space<hbm>> -> memref<64x768xf32, #tpu.memory_space<hbm>>
    %dma_start3A_143 = arith.constant 0 : i32
    %dma_start3A_144 = tpu.memref_slice %arg3[%dma_start3A_139, %min3A_5, %dma_start3A_143] : memref<4x2097x768xf32, #tpu.memory_space<hbm>> -> memref<1x64x768xf32, #tpu.memory_space<hbm>>
    %dma_start3A_145 = tpu.memref_squeeze %dma_start3A_144 : memref<1x64x768xf32, #tpu.memory_space<hbm>> -> memref<64x768xf32, #tpu.memory_space<hbm>>
    tpu.enqueue_dma source(%arg5 : memref<64x768xf32, #tpu.memory_space<vmem>>) target(%dma_start3A_145 : memref<64x768xf32, #tpu.memory_space<hbm>>) target_semaphore(%arg9 : memref<!tpu.dma_semaphore, #tpu.memory_space<semaphore_mem>>)
    %dma_wait3A_146 = arith.constant 3 : i32
    %dma_wait3A_147 = arith.constant 0 : i32
    %dma_wait3A_148 = arith.constant 0 : i32
    %dma_wait3A_149 = tpu.memref_slice %arg2[%dma_wait3A_146, %dma_wait3A_147, %dma_wait3A_148] : memref<4x2048x768xf32, #tpu.memory_space<hbm>> -> memref<1x2048x768xf32, #tpu.memory_space<hbm>>
    %dma_wait3A_150 = tpu.memref_squeeze %dma_wait3A_149 : memref<1x2048x768xf32, #tpu.memory_space<hbm>> -> memref<2048x768xf32, #tpu.memory_space<hbm>>
    %dma_wait3A_151 = arith.constant 0 : i32
    %dma_wait3A_152 = arith.constant 0 : i32
    %dma_wait3A_153 = tpu.memref_slice %dma_wait3A_150[%dma_wait3A_151, %dma_wait3A_152] : memref<2048x768xf32, #tpu.memory_space<hbm>> -> memref<2048x768xf32, #tpu.memory_space<hbm>>
    tpu.wait_indirect_dma semaphore(%arg8 : memref<!tpu.dma_semaphore, #tpu.memory_space<semaphore_mem>>) src(%dma_wait3A_153 : memref<2048x768xf32, #tpu.memory_space<hbm>>) dst(%arg6 : memref<64x768xf32, #tpu.memory_space<vmem>>)
    %dma_start3A_154 = arith.constant 3 : i32
    %dma_start3A_155 = arith.constant 0 : i32
    %dma_start3A_156 = tpu.memref_slice %arg3[%dma_start3A_154, %min3A_5, %dma_start3A_155] : memref<4x2097x768xf32, #tpu.memory_space<hbm>> -> memref<1x64x768xf32, #tpu.memory_space<hbm>>
    %dma_start3A_157 = tpu.memref_squeeze %dma_start3A_156 : memref<1x64x768xf32, #tpu.memory_space<hbm>> -> memref<64x768xf32, #tpu.memory_space<hbm>>
    %dma_start3A_158 = arith.constant 0 : i32
    %dma_start3A_159 = tpu.memref_slice %arg3[%dma_start3A_154, %min3A_5, %dma_start3A_158] : memref<4x2097x768xf32, #tpu.memory_space<hbm>> -> memref<1x64x768xf32, #tpu.memory_space<hbm>>
    %dma_start3A_160 = tpu.memref_squeeze %dma_start3A_159 : memref<1x64x768xf32, #tpu.memory_space<hbm>> -> memref<64x768xf32, #tpu.memory_space<hbm>>
    tpu.enqueue_dma source(%arg6 : memref<64x768xf32, #tpu.memory_space<vmem>>) target(%dma_start3A_160 : memref<64x768xf32, #tpu.memory_space<hbm>>) target_semaphore(%arg10 : memref<!tpu.dma_semaphore, #tpu.memory_space<semaphore_mem>>)
    %dma_wait3A_161 = arith.constant 2 : i32
    %dma_wait3A_162 = arith.constant 0 : i32
    %dma_wait3A_163 = tpu.memref_slice %arg3[%dma_wait3A_161, %min3A_5, %dma_wait3A_162] : memref<4x2097x768xf32, #tpu.memory_space<hbm>> -> memref<1x64x768xf32, #tpu.memory_space<hbm>>
    %dma_wait3A_164 = tpu.memref_squeeze %dma_wait3A_163 : memref<1x64x768xf32, #tpu.memory_space<hbm>> -> memref<64x768xf32, #tpu.memory_space<hbm>>
    %dma_wait3A_165 = arith.constant 0 : i32
    %dma_wait3A_166 = tpu.memref_slice %arg3[%dma_wait3A_161, %min3A_5, %dma_wait3A_165] : memref<4x2097x768xf32, #tpu.memory_space<hbm>> -> memref<1x64x768xf32, #tpu.memory_space<hbm>>
    %dma_wait3A_167 = tpu.memref_squeeze %dma_wait3A_166 : memref<1x64x768xf32, #tpu.memory_space<hbm>> -> memref<64x768xf32, #tpu.memory_space<hbm>>
    tpu.wait_dma2 semaphore(%arg9 : memref<!tpu.dma_semaphore, #tpu.memory_space<semaphore_mem>>) src(%arg5 : memref<64x768xf32, #tpu.memory_space<vmem>>) dst(%dma_wait3A_167 : memref<64x768xf32, #tpu.memory_space<hbm>>)
    %dma_wait3A_168 = arith.constant 3 : i32
    %dma_wait3A_169 = arith.constant 0 : i32
    %dma_wait3A_170 = tpu.memref_slice %arg3[%dma_wait3A_168, %min3A_5, %dma_wait3A_169] : memref<4x2097x768xf32, #tpu.memory_space<hbm>> -> memref<1x64x768xf32, #tpu.memory_space<hbm>>
    %dma_wait3A_171 = tpu.memref_squeeze %dma_wait3A_170 : memref<1x64x768xf32, #tpu.memory_space<hbm>> -> memref<64x768xf32, #tpu.memory_space<hbm>>
    %dma_wait3A_172 = arith.constant 0 : i32
    %dma_wait3A_173 = tpu.memref_slice %arg3[%dma_wait3A_168, %min3A_5, %dma_wait3A_172] : memref<4x2097x768xf32, #tpu.memory_space<hbm>> -> memref<1x64x768xf32, #tpu.memory_space<hbm>>
    %dma_wait3A_174 = tpu.memref_squeeze %dma_wait3A_173 : memref<1x64x768xf32, #tpu.memory_space<hbm>> -> memref<64x768xf32, #tpu.memory_space<hbm>>
    tpu.wait_dma2 semaphore(%arg10 : memref<!tpu.dma_semaphore, #tpu.memory_space<semaphore_mem>>) src(%arg6 : memref<64x768xf32, #tpu.memory_space<vmem>>) dst(%dma_wait3A_174 : memref<64x768xf32, #tpu.memory_space<hbm>>)
    return
  }
}

module attributes {stable_mosaic.version = 14 : i64} {
  func.func @_tc_mean_body(%arg0: i32, %arg1: memref<1x2048x768xf32, #tpu.memory_space<vmem>>, %arg2: memref<1x1x768xf32, #tpu.memory_space<vmem>>) attributes {dimension_semantics = [#tpu.dimension_semantics<arbitrary>], iteration_bounds = array<i64: 4>, scalar_prefetch = 0 : i64, scratch_operands = 0 : i64, tpu.core_type = #tpu.core_type<tc>, window_params = [{transform_indices = @transform_0, window_bounds = array<i64: 1, 2048, 768>}, {transform_indices = @transform_1, window_bounds = array<i64: 1, 1, 768>}]} {
    %get3A = arith.constant 0 : index
    %get3A_0 = arith.constant 0 : index
    %get3A_1 = arith.constant 0 : index
    %get3A_2 = vector.load %arg1[%get3A, %get3A_0, %get3A_1] : memref<1x2048x768xf32, #tpu.memory_space<vmem>>, vector<1x2048x768xf32>
    %get3A_3 = vector.shape_cast %get3A_2 : vector<1x2048x768xf32> to vector<2048x768xf32>
    %reduce_sum3A = arith.constant dense<0.000000e+00> : vector<768xf32>
    %reduce_sum3A_4 = vector.multi_reduction <add>, %get3A_3, %reduce_sum3A [0] : vector<2048x768xf32> to vector<768xf32>
    %broadcast_in_dim3A = vector.shape_cast %reduce_sum3A_4 : vector<768xf32> to vector<1x768xf32>
    %mul3A = arith.constant 4.8828125E-4 : f32
    %mul3A_5 = vector.broadcast %mul3A : f32 to vector<1x768xf32>
    %mul3A_6 = arith.mulf %broadcast_in_dim3A, %mul3A_5 : vector<1x768xf32>
    %swap3A = arith.constant 0 : index
    %swap3A_7 = arith.constant 0 : index
    %swap3A_8 = arith.constant 0 : index
    %swap3A_9 = vector.load %arg2[%swap3A, %swap3A_7, %swap3A_8] : memref<1x1x768xf32, #tpu.memory_space<vmem>>, vector<1x1x768xf32>
    %swap3A_10 = vector.shape_cast %swap3A_9 : vector<1x1x768xf32> to vector<1x768xf32>
    %swap3A_11 = vector.shape_cast %mul3A_6 : vector<1x768xf32> to vector<1x1x768xf32>
    tpu.vector_store %arg2[%swap3A, %swap3A_7, %swap3A_8], %swap3A_11 {strides = array<i32>} : memref<1x1x768xf32, #tpu.memory_space<vmem>>, vector<1x1x768xf32>,
    return
  }
  func.func @transform_0(%arg0: i32) -> (i32, i32, i32) {
    %c0_i32 = arith.constant 0 : i32
    %c0_i32_0 = arith.constant 0 : i32
    %c0_i32_1 = arith.constant 0 : i32
    return %arg0, %c0_i32, %c0_i32_0 : i32, i32, i32
  }
  func.func @transform_1(%arg0: i32) -> (i32, i32, i32) {
    %c0_i32 = arith.constant 0 : i32
    %c0_i32_0 = arith.constant 0 : i32
    %c0_i32_1 = arith.constant 0 : i32
    return %arg0, %c0_i32, %c0_i32_0 : i32, i32, i32
  }
}

module attributes {stable_mosaic.version = 14 : i64} {
  func.func @_tc_prefix_body(%arg0: memref<1xi32, #tpu.memory_space<smem>>, %arg1: memref<4x2097x768xf32, #tpu.memory_space<hbm>>, %arg2: memref<4x1x768xf32, #tpu.memory_space<vmem>>, %arg3: memref<4x2048x768xf32, #tpu.memory_space<hbm>>, %arg4: memref<80x768xf32, #tpu.memory_space<hbm>>, %arg5: memref<800x768xf32, #tpu.memory_space<hbm>>, %arg6: memref<100x768xf32, #tpu.memory_space<vmem>>, %arg7: memref<1x768xf32, #tpu.memory_space<vmem>>, %arg8: memref<4x2097x768xf32, #tpu.memory_space<hbm>>, %arg9: memref<2x8x768xf32, #tpu.memory_space<vmem>>, %arg10: memref<2x8x768xf32, #tpu.memory_space<vmem>>, %arg11: memref<!tpu.dma_semaphore, #tpu.memory_space<semaphore_mem>>, %arg12: memref<!tpu.dma_semaphore, #tpu.memory_space<semaphore_mem>>) attributes {dimension_semantics = [], scalar_prefetch = 0 : i64, scratch_operands = 4 : i64, tpu.core_type = #tpu.core_type<tc>} {
    %get3A = arith.constant 0 : index
    %get3A_0 = arith.constant 0 : index
    %get3A_1 = vector.load %arg6[%get3A, %get3A_0] : memref<100x768xf32, #tpu.memory_space<vmem>>, vector<100x768xf32>
    %mul3A = arith.mulf %get3A_1, %get3A_1 : vector<100x768xf32>
    %reduce_sum3A = arith.constant dense<0.000000e+00> : vector<100xf32>
    %reduce_sum3A_2 = vector.multi_reduction <add>, %mul3A, %reduce_sum3A [1] : vector<100x768xf32> to vector<100xf32>
    %broadcast_in_dim3A = vector.shape_cast %reduce_sum3A_2 : vector<100xf32> to vector<100x1xf32>
    %sqrt3A = math.sqrt %broadcast_in_dim3A : vector<100x1xf32>
    %max3A = arith.constant 9.99999996E-13 : f32
    %max3A_3 = vector.broadcast %max3A : f32 to vector<100x1xf32>
    %max3A_4 = arith.maximumf %sqrt3A, %max3A_3 : vector<100x1xf32>
    %div3A = vector.broadcast %max3A_4 : vector<100x1xf32> to vector<100x768xf32>
    %div3A_5 = arith.divf %get3A_1, %div3A : vector<100x768xf32>
    %get3A_6 = arith.constant 0 : index
    %get3A_7 = memref.load %arg0[%get3A_6] : memref<1xi32, #tpu.memory_space<smem>>
    %dma_start3A = arith.constant 0 : i32
    %dma_start3A_8 = arith.constant 0 : i32
    %dma_start3A_9 = arith.constant 0 : i32
    %dma_start3A_10 = arith.constant 0 : i32
    %dma_start3A_11 = tpu.memref_slice %arg9[%dma_start3A_8, %dma_start3A_9, %dma_start3A_10] : memref<2x8x768xf32, #tpu.memory_space<vmem>> -> memref<1x8x768xf32, #tpu.memory_space<vmem>>
    %dma_start3A_12 = tpu.memref_squeeze %dma_start3A_11 : memref<1x8x768xf32, #tpu.memory_space<vmem>> -> memref<8x768xf32, #tpu.memory_space<vmem>>
    %dma_start3A_13 = arith.constant 0 : i32
    %dma_start3A_14 = arith.constant 0 : i32
    %dma_start3A_15 = tpu.memref_slice %arg3[%dma_start3A, %dma_start3A_13, %dma_start3A_14] : memref<4x2048x768xf32, #tpu.memory_space<hbm>> -> memref<1x8x768xf32, #tpu.memory_space<hbm>>
    %dma_start3A_16 = tpu.memref_squeeze %dma_start3A_15 : memref<1x8x768xf32, #tpu.memory_space<hbm>> -> memref<8x768xf32, #tpu.memory_space<hbm>>
    tpu.enqueue_dma source(%dma_start3A_16 : memref<8x768xf32, #tpu.memory_space<hbm>>) target(%dma_start3A_12 : memref<8x768xf32, #tpu.memory_space<vmem>>) target_semaphore(%arg11 : memref<!tpu.dma_semaphore, #tpu.memory_space<semaphore_mem>>)
    %dma_start3A_17 = arith.constant 0 : i32
    %dma_start3A_18 = arith.constant 1 : i32
    %dma_start3A_19 = arith.constant 0 : i32
    %dma_start3A_20 = arith.constant 0 : i32
    %dma_start3A_21 = tpu.memref_slice %arg9[%dma_start3A_18, %dma_start3A_19, %dma_start3A_20] : memref<2x8x768xf32, #tpu.memory_space<vmem>> -> memref<1x8x768xf32, #tpu.memory_space<vmem>>
    %dma_start3A_22 = tpu.memref_squeeze %dma_start3A_21 : memref<1x8x768xf32, #tpu.memory_space<vmem>> -> memref<8x768xf32, #tpu.memory_space<vmem>>
    %dma_start3A_23 = arith.constant 2040 : i32
    %dma_start3A_24 = arith.constant 0 : i32
    %dma_start3A_25 = tpu.memref_slice %arg3[%dma_start3A_17, %dma_start3A_23, %dma_start3A_24] : memref<4x2048x768xf32, #tpu.memory_space<hbm>> -> memref<1x8x768xf32, #tpu.memory_space<hbm>>
    %dma_start3A_26 = tpu.memref_squeeze %dma_start3A_25 : memref<1x8x768xf32, #tpu.memory_space<hbm>> -> memref<8x768xf32, #tpu.memory_space<hbm>>
    tpu.enqueue_dma source(%dma_start3A_26 : memref<8x768xf32, #tpu.memory_space<hbm>>) target(%dma_start3A_22 : memref<8x768xf32, #tpu.memory_space<vmem>>) target_semaphore(%arg11 : memref<!tpu.dma_semaphore, #tpu.memory_space<semaphore_mem>>)
    %dma_wait3A = arith.constant 0 : i32
    %dma_wait3A_27 = arith.constant 0 : i32
    %dma_wait3A_28 = arith.constant 0 : i32
    %dma_wait3A_29 = arith.constant 0 : i32
    %dma_wait3A_30 = tpu.memref_slice %arg9[%dma_wait3A_27, %dma_wait3A_28, %dma_wait3A_29] : memref<2x8x768xf32, #tpu.memory_space<vmem>> -> memref<1x8x768xf32, #tpu.memory_space<vmem>>
    %dma_wait3A_31 = tpu.memref_squeeze %dma_wait3A_30 : memref<1x8x768xf32, #tpu.memory_space<vmem>> -> memref<8x768xf32, #tpu.memory_space<vmem>>
    %dma_wait3A_32 = arith.constant 0 : i32
    %dma_wait3A_33 = arith.constant 0 : i32
    %dma_wait3A_34 = tpu.memref_slice %arg3[%dma_wait3A, %dma_wait3A_32, %dma_wait3A_33] : memref<4x2048x768xf32, #tpu.memory_space<hbm>> -> memref<1x8x768xf32, #tpu.memory_space<hbm>>
    %dma_wait3A_35 = tpu.memref_squeeze %dma_wait3A_34 : memref<1x8x768xf32, #tpu.memory_space<hbm>> -> memref<8x768xf32, #tpu.memory_space<hbm>>
    tpu.wait_dma2 semaphore(%arg11 : memref<!tpu.dma_semaphore, #tpu.memory_space<semaphore_mem>>) src(%dma_wait3A_35 : memref<8x768xf32, #tpu.memory_space<hbm>>) dst(%dma_wait3A_31 : memref<8x768xf32, #tpu.memory_space<vmem>>)
    %dma_wait3A_36 = arith.constant 0 : i32
    %dma_wait3A_37 = arith.constant 1 : i32
    %dma_wait3A_38 = arith.constant 0 : i32
    %dma_wait3A_39 = arith.constant 0 : i32
    %dma_wait3A_40 = tpu.memref_slice %arg9[%dma_wait3A_37, %dma_wait3A_38, %dma_wait3A_39] : memref<2x8x768xf32, #tpu.memory_space<vmem>> -> memref<1x8x768xf32, #tpu.memory_space<vmem>>
    %dma_wait3A_41 = tpu.memref_squeeze %dma_wait3A_40 : memref<1x8x768xf32, #tpu.memory_space<vmem>> -> memref<8x768xf32, #tpu.memory_space<vmem>>
    %dma_wait3A_42 = arith.constant 2040 : i32
    %dma_wait3A_43 = arith.constant 0 : i32
    %dma_wait3A_44 = tpu.memref_slice %arg3[%dma_wait3A_36, %dma_wait3A_42, %dma_wait3A_43] : memref<4x2048x768xf32, #tpu.memory_space<hbm>> -> memref<1x8x768xf32, #tpu.memory_space<hbm>>
    %dma_wait3A_45 = tpu.memref_squeeze %dma_wait3A_44 : memref<1x8x768xf32, #tpu.memory_space<hbm>> -> memref<8x768xf32, #tpu.memory_space<hbm>>
    tpu.wait_dma2 semaphore(%arg11 : memref<!tpu.dma_semaphore, #tpu.memory_space<semaphore_mem>>) src(%dma_wait3A_45 : memref<8x768xf32, #tpu.memory_space<hbm>>) dst(%dma_wait3A_41 : memref<8x768xf32, #tpu.memory_space<vmem>>)
    %get3A_46 = arith.constant 0 : index
    %get3A_47 = arith.constant 0 : index
    %get3A_48 = arith.constant 0 : index
    %get3A_49 = vector.load %arg9[%get3A_46, %get3A_47, %get3A_48] : memref<2x8x768xf32, #tpu.memory_space<vmem>>, vector<1x8x768xf32>
    %get3A_50 = vector.shape_cast %get3A_49 : vector<1x8x768xf32> to vector<8x768xf32>
    %get3A_51 = arith.constant 1 : index
    %get3A_52 = arith.constant 0 : index
    %get3A_53 = arith.constant 0 : index
    %get3A_54 = vector.load %arg9[%get3A_51, %get3A_52, %get3A_53] : memref<2x8x768xf32, #tpu.memory_space<vmem>>, vector<1x8x768xf32>
    %get3A_55 = vector.shape_cast %get3A_54 : vector<1x8x768xf32> to vector<8x768xf32>
    %get3A_56 = arith.constant 0 : index
    %get3A_57 = arith.constant 0 : index
    %get3A_58 = vector.load %arg7[%get3A_56, %get3A_57] : memref<1x768xf32, #tpu.memory_space<vmem>>, vector<1x768xf32>
    %slice3A = vector.extract_strided_slice %get3A_50 {offsets = [0, 0], sizes = [7, 768], strides = [1, 1]} : vector<8x768xf32> to vector<7x768xf32>
    %concatenate3A = tpu.concatenate %get3A_58, %slice3A in 0 : vector<1x768xf32>, vector<7x768xf32> -> vector<8x768xf32>
    %swap3A = arith.constant 0 : index
    %swap3A_59 = arith.constant 0 : index
    %swap3A_60 = arith.constant 0 : index
    %swap3A_61 = vector.load %arg10[%swap3A, %swap3A_59, %swap3A_60] : memref<2x8x768xf32, #tpu.memory_space<vmem>>, vector<1x8x768xf32>
    %swap3A_62 = vector.shape_cast %swap3A_61 : vector<1x8x768xf32> to vector<8x768xf32>
    %swap3A_63 = vector.shape_cast %concatenate3A : vector<8x768xf32> to vector<1x8x768xf32>
    tpu.vector_store %arg10[%swap3A, %swap3A_59, %swap3A_60], %swap3A_63 {strides = array<i32>} : memref<2x8x768xf32, #tpu.memory_space<vmem>>, vector<1x8x768xf32>,
    %slice3A_64 = vector.extract_strided_slice %get3A_55 {offsets = [7, 0], sizes = [1, 768], strides = [1, 1]} : vector<8x768xf32> to vector<1x768xf32>
    %slice3A_65 = vector.extract_strided_slice %get3A_55 {offsets = [0, 0], sizes = [7, 768], strides = [1, 1]} : vector<8x768xf32> to vector<7x768xf32>
    %concatenate3A_66 = tpu.concatenate %slice3A_64, %slice3A_65 in 0 : vector<1x768xf32>, vector<7x768xf32> -> vector<8x768xf32>
    %swap3A_67 = arith.constant 1 : index
    %swap3A_68 = arith.constant 0 : index
    %swap3A_69 = arith.constant 0 : index
    %swap3A_70 = vector.load %arg10[%swap3A_67, %swap3A_68, %swap3A_69] : memref<2x8x768xf32, #tpu.memory_space<vmem>>, vector<1x8x768xf32>
    %swap3A_71 = vector.shape_cast %swap3A_70 : vector<1x8x768xf32> to vector<8x768xf32>
    %swap3A_72 = vector.shape_cast %concatenate3A_66 : vector<8x768xf32> to vector<1x8x768xf32>
    tpu.vector_store %arg10[%swap3A_67, %swap3A_68, %swap3A_69], %swap3A_72 {strides = array<i32>} : memref<2x8x768xf32, #tpu.memory_space<vmem>>, vector<1x8x768xf32>,
    %dma_start3A_73 = arith.constant 0 : i32
    %dma_start3A_74 = arith.constant 0 : i32
    %dma_start3A_75 = arith.constant 48 : i32
    %dma_start3A_76 = arith.constant 0 : i32
    %dma_start3A_77 = tpu.memref_slice %arg8[%dma_start3A_74, %dma_start3A_75, %dma_start3A_76] : memref<4x2097x768xf32, #tpu.memory_space<hbm>> -> memref<1x8x768xf32, #tpu.memory_space<hbm>>
    %dma_start3A_78 = tpu.memref_squeeze %dma_start3A_77 : memref<1x8x768xf32, #tpu.memory_space<hbm>> -> memref<8x768xf32, #tpu.memory_space<hbm>>
    %dma_start3A_79 = arith.constant 0 : i32
    %dma_start3A_80 = arith.constant 0 : i32
    %dma_start3A_81 = tpu.memref_slice %arg10[%dma_start3A_73, %dma_start3A_79, %dma_start3A_80] : memref<2x8x768xf32, #tpu.memory_space<vmem>> -> memref<1x8x768xf32, #tpu.memory_space<vmem>>
    %dma_start3A_82 = tpu.memref_squeeze %dma_start3A_81 : memref<1x8x768xf32, #tpu.memory_space<vmem>> -> memref<8x768xf32, #tpu.memory_space<vmem>>
    tpu.enqueue_dma source(%dma_start3A_82 : memref<8x768xf32, #tpu.memory_space<vmem>>) target(%dma_start3A_78 : memref<8x768xf32, #tpu.memory_space<hbm>>) target_semaphore(%arg12 : memref<!tpu.dma_semaphore, #tpu.memory_space<semaphore_mem>>)
    %dma_start3A_83 = arith.constant 1 : i32
    %dma_start3A_84 = arith.constant 0 : i32
    %dma_start3A_85 = arith.constant 2096 : i32
    %dma_start3A_86 = arith.constant 0 : i32
    %dma_start3A_87 = tpu.memref_slice %arg8[%dma_start3A_84, %dma_start3A_85, %dma_start3A_86] : memref<4x2097x768xf32, #tpu.memory_space<hbm>> -> memref<1x1x768xf32, #tpu.memory_space<hbm>>
    %dma_start3A_88 = tpu.memref_squeeze %dma_start3A_87 : memref<1x1x768xf32, #tpu.memory_space<hbm>> -> memref<1x768xf32, #tpu.memory_space<hbm>>
    %dma_start3A_89 = arith.constant 0 : i32
    %dma_start3A_90 = arith.constant 0 : i32
    %dma_start3A_91 = tpu.memref_slice %arg10[%dma_start3A_83, %dma_start3A_89, %dma_start3A_90] : memref<2x8x768xf32, #tpu.memory_space<vmem>> -> memref<1x1x768xf32, #tpu.memory_space<vmem>>
    %dma_start3A_92 = tpu.memref_squeeze %dma_start3A_91 : memref<1x1x768xf32, #tpu.memory_space<vmem>> -> memref<1x768xf32, #tpu.memory_space<vmem>>
    tpu.enqueue_dma source(%dma_start3A_92 : memref<1x768xf32, #tpu.memory_space<vmem>>) target(%dma_start3A_88 : memref<1x768xf32, #tpu.memory_space<hbm>>) target_semaphore(%arg12 : memref<!tpu.dma_semaphore, #tpu.memory_space<semaphore_mem>>)
    %get3A_93 = arith.constant 0 : index
    %get3A_94 = arith.constant 0 : index
    %get3A_95 = arith.constant 0 : index
    %get3A_96 = vector.load %arg2[%get3A_93, %get3A_94, %get3A_95] : memref<4x1x768xf32, #tpu.memory_space<vmem>>, vector<1x1x768xf32>
    %get3A_97 = vector.shape_cast %get3A_96 : vector<1x1x768xf32> to vector<1x768xf32>
    %mul3A_98 = arith.mulf %get3A_97, %get3A_97 : vector<1x768xf32>
    %reduce_sum3A_99 = vector.shape_cast %mul3A_98 : vector<1x768xf32> to vector<1x1x768xf32>
    %reduce_sum3A_100 = arith.constant dense<0.000000e+00> : vector<1xf32>
    %reduce_sum3A_101 = vector.multi_reduction <add>, %reduce_sum3A_99, %reduce_sum3A_100 [1, 2] : vector<1x1x768xf32> to vector<1xf32>
    %reduce_sum3A_102 = vector.shape_cast %reduce_sum3A_101 : vector<1xf32> to vector<1x1x1xf32>
    %reduce_sum3A_103 = vector.extract %reduce_sum3A_102[0, 0, 0] : f32 from vector<1x1x1xf32>
    %sqrt3A_104 = math.sqrt %reduce_sum3A_103 : f32
    %max3A_105 = arith.constant 9.99999996E-13 : f32
    %max3A_106 = arith.maximumf %sqrt3A_104, %max3A_105 : f32
    %div3A_107 = vector.broadcast %max3A_106 : f32 to vector<1x768xf32>
    %div3A_108 = arith.divf %get3A_97, %div3A_107 : vector<1x768xf32>
    %dot_general3A = arith.constant dense<0.000000e+00> : vector<1x100xf32>
    %dot_general3A_109 = tpu.matmul %div3A_108, %div3A_5, %dot_general3A {dimension_numbers = #tpu.dot_dimension_numbers<[1], [1], [0], [0], [0, 0, 1, 0], [], []>, transpose_lhs_hint = false} : vector<1x768xf32>, vector<100x768xf32>, vector<1x100xf32> -> vector<1x100xf32>
    %mul3A_110 = arith.constant 8 : i32
    %mul3A_111 = arith.muli %get3A_7, %mul3A_110 : i32
    %dma_start3A_112 = arith.constant 0 : i32
    %dma_start3A_113 = arith.constant 0 : i32
    %dma_start3A_114 = arith.constant 0 : i32
    %dma_start3A_115 = tpu.memref_slice %arg8[%dma_start3A_112, %dma_start3A_113, %dma_start3A_114] : memref<4x2097x768xf32, #tpu.memory_space<hbm>> -> memref<1x8x768xf32, #tpu.memory_space<hbm>>
    %dma_start3A_116 = tpu.memref_squeeze %dma_start3A_115 : memref<1x8x768xf32, #tpu.memory_space<hbm>> -> memref<8x768xf32, #tpu.memory_space<hbm>>
    %dma_start3A_117 = arith.constant 0 : i32
    %dma_start3A_118 = tpu.memref_slice %arg4[%mul3A_111, %dma_start3A_117] : memref<80x768xf32, #tpu.memory_space<hbm>> -> memref<8x768xf32, #tpu.memory_space<hbm>>
    tpu.enqueue_dma source(%dma_start3A_118 : memref<8x768xf32, #tpu.memory_space<hbm>>) target(%dma_start3A_116 : memref<8x768xf32, #tpu.memory_space<hbm>>) target_semaphore(%arg12 : memref<!tpu.dma_semaphore, #tpu.memory_space<semaphore_mem>>)
    %iota3A = tpu.iota {dimensions = array<i32: 1>} : vector<1x100xi32>
    %squeeze3A = vector.shape_cast %dot_general3A_109 : vector<1x100xf32> to vector<100xf32>
    %argmax3A = vector.shape_cast %squeeze3A : vector<100xf32> to vector<1x100xf32>
    %argmax3A_119 = tpu.reduce_index %argmax3A {axis = 1 : i32, kind = #tpu.reduction_kind<arg_max>} : vector<1x100xf32> -> vector<1xi32>
    %argmax3A_120 = vector.extract %argmax3A_119[0] : i32 from vector<1xi32>
    %mul3A_121 = arith.constant 8 : i32
    %mul3A_122 = arith.muli %argmax3A_120, %mul3A_121 : i32
    %dma_start3A_123 = arith.constant 0 : i32
    %dma_start3A_124 = arith.constant 8 : i32
    %dma_start3A_125 = arith.constant 0 : i32
    %dma_start3A_126 = tpu.memref_slice %arg8[%dma_start3A_123, %dma_start3A_124, %dma_start3A_125] : memref<4x2097x768xf32, #tpu.memory_space<hbm>> -> memref<1x8x768xf32, #tpu.memory_space<hbm>>
    %dma_start3A_127 = tpu.memref_squeeze %dma_start3A_126 : memref<1x8x768xf32, #tpu.memory_space<hbm>> -> memref<8x768xf32, #tpu.memory_space<hbm>>
    %dma_start3A_128 = arith.constant 0 : i32
    %dma_start3A_129 = tpu.memref_slice %arg5[%mul3A_122, %dma_start3A_128] : memref<800x768xf32, #tpu.memory_space<hbm>> -> memref<8x768xf32, #tpu.memory_space<hbm>>
    tpu.enqueue_dma source(%dma_start3A_129 : memref<8x768xf32, #tpu.memory_space<hbm>>) target(%dma_start3A_127 : memref<8x768xf32, #tpu.memory_space<hbm>>) target_semaphore(%arg12 : memref<!tpu.dma_semaphore, #tpu.memory_space<semaphore_mem>>)
    %eq3A = vector.broadcast %argmax3A_120 : i32 to vector<1x100xi32>
    %eq3A_130 = arith.cmpi eq, %iota3A, %eq3A : vector<1x100xi32>
    %jit3A = arith.constant 0xFF800000 : f32
    %broadcast_in_dim3A_131 = vector.broadcast %jit3A : f32 to vector<1x100xf32>
    %select_n3A = arith.select %eq3A_130, %broadcast_in_dim3A_131, %dot_general3A_109 : vector<1x100xi1>, vector<1x100xf32>
    %squeeze3A_132 = vector.shape_cast %select_n3A : vector<1x100xf32> to vector<100xf32>
    %argmax3A_133 = vector.shape_cast %squeeze3A_132 : vector<100xf32> to vector<1x100xf32>
    %argmax3A_134 = tpu.reduce_index %argmax3A_133 {axis = 1 : i32, kind = #tpu.reduction_kind<arg_max>} : vector<1x100xf32> -> vector<1xi32>
    %argmax3A_135 = vector.extract %argmax3A_134[0] : i32 from vector<1xi32>
    %mul3A_136 = arith.constant 8 : i32
    %mul3A_137 = arith.muli %argmax3A_135, %mul3A_136 : i32
    %dma_start3A_138 = arith.constant 0 : i32
    %dma_start3A_139 = arith.constant 16 : i32
    %dma_start3A_140 = arith.constant 0 : i32
    %dma_start3A_141 = tpu.memref_slice %arg8[%dma_start3A_138, %dma_start3A_139, %dma_start3A_140] : memref<4x2097x768xf32, #tpu.memory_space<hbm>> -> memref<1x8x768xf32, #tpu.memory_space<hbm>>
    %dma_start3A_142 = tpu.memref_squeeze %dma_start3A_141 : memref<1x8x768xf32, #tpu.memory_space<hbm>> -> memref<8x768xf32, #tpu.memory_space<hbm>>
    %dma_start3A_143 = arith.constant 0 : i32
    %dma_start3A_144 = tpu.memref_slice %arg5[%mul3A_137, %dma_start3A_143] : memref<800x768xf32, #tpu.memory_space<hbm>> -> memref<8x768xf32, #tpu.memory_space<hbm>>
    tpu.enqueue_dma source(%dma_start3A_144 : memref<8x768xf32, #tpu.memory_space<hbm>>) target(%dma_start3A_142 : memref<8x768xf32, #tpu.memory_space<hbm>>) target_semaphore(%arg12 : memref<!tpu.dma_semaphore, #tpu.memory_space<semaphore_mem>>)
    %eq3A_145 = vector.broadcast %argmax3A_135 : i32 to vector<1x100xi32>
    %eq3A_146 = arith.cmpi eq, %iota3A, %eq3A_145 : vector<1x100xi32>
    %jit3A_147 = arith.constant 0xFF800000 : f32
    %broadcast_in_dim3A_148 = vector.broadcast %jit3A_147 : f32 to vector<1x100xf32>
    %select_n3A_149 = arith.select %eq3A_146, %broadcast_in_dim3A_148, %select_n3A : vector<1x100xi1>, vector<1x100xf32>
    %squeeze3A_150 = vector.shape_cast %select_n3A_149 : vector<1x100xf32> to vector<100xf32>
    %argmax3A_151 = vector.shape_cast %squeeze3A_150 : vector<100xf32> to vector<1x100xf32>
    %argmax3A_152 = tpu.reduce_index %argmax3A_151 {axis = 1 : i32, kind = #tpu.reduction_kind<arg_max>} : vector<1x100xf32> -> vector<1xi32>
    %argmax3A_153 = vector.extract %argmax3A_152[0] : i32 from vector<1xi32>
    %mul3A_154 = arith.constant 8 : i32
    %mul3A_155 = arith.muli %argmax3A_153, %mul3A_154 : i32
    %dma_start3A_156 = arith.constant 0 : i32
    %dma_start3A_157 = arith.constant 24 : i32
    %dma_start3A_158 = arith.constant 0 : i32
    %dma_start3A_159 = tpu.memref_slice %arg8[%dma_start3A_156, %dma_start3A_157, %dma_start3A_158] : memref<4x2097x768xf32, #tpu.memory_space<hbm>> -> memref<1x8x768xf32, #tpu.memory_space<hbm>>
    %dma_start3A_160 = tpu.memref_squeeze %dma_start3A_159 : memref<1x8x768xf32, #tpu.memory_space<hbm>> -> memref<8x768xf32, #tpu.memory_space<hbm>>
    %dma_start3A_161 = arith.constant 0 : i32
    %dma_start3A_162 = tpu.memref_slice %arg5[%mul3A_155, %dma_start3A_161] : memref<800x768xf32, #tpu.memory_space<hbm>> -> memref<8x768xf32, #tpu.memory_space<hbm>>
    tpu.enqueue_dma source(%dma_start3A_162 : memref<8x768xf32, #tpu.memory_space<hbm>>) target(%dma_start3A_160 : memref<8x768xf32, #tpu.memory_space<hbm>>) target_semaphore(%arg12 : memref<!tpu.dma_semaphore, #tpu.memory_space<semaphore_mem>>)
    %eq3A_163 = vector.broadcast %argmax3A_153 : i32 to vector<1x100xi32>
    %eq3A_164 = arith.cmpi eq, %iota3A, %eq3A_163 : vector<1x100xi32>
    %jit3A_165 = arith.constant 0xFF800000 : f32
    %broadcast_in_dim3A_166 = vector.broadcast %jit3A_165 : f32 to vector<1x100xf32>
    %select_n3A_167 = arith.select %eq3A_164, %broadcast_in_dim3A_166, %select_n3A_149 : vector<1x100xi1>, vector<1x100xf32>
    %squeeze3A_168 = vector.shape_cast %select_n3A_167 : vector<1x100xf32> to vector<100xf32>
    %argmax3A_169 = vector.shape_cast %squeeze3A_168 : vector<100xf32> to vector<1x100xf32>
    %argmax3A_170 = tpu.reduce_index %argmax3A_169 {axis = 1 : i32, kind = #tpu.reduction_kind<arg_max>} : vector<1x100xf32> -> vector<1xi32>
    %argmax3A_171 = vector.extract %argmax3A_170[0] : i32 from vector<1xi32>
    %mul3A_172 = arith.constant 8 : i32
    %mul3A_173 = arith.muli %argmax3A_171, %mul3A_172 : i32
    %dma_start3A_174 = arith.constant 0 : i32
    %dma_start3A_175 = arith.constant 32 : i32
    %dma_start3A_176 = arith.constant 0 : i32
    %dma_start3A_177 = tpu.memref_slice %arg8[%dma_start3A_174, %dma_start3A_175, %dma_start3A_176] : memref<4x2097x768xf32, #tpu.memory_space<hbm>> -> memref<1x8x768xf32, #tpu.memory_space<hbm>>
    %dma_start3A_178 = tpu.memref_squeeze %dma_start3A_177 : memref<1x8x768xf32, #tpu.memory_space<hbm>> -> memref<8x768xf32, #tpu.memory_space<hbm>>
    %dma_start3A_179 = arith.constant 0 : i32
    %dma_start3A_180 = tpu.memref_slice %arg5[%mul3A_173, %dma_start3A_179] : memref<800x768xf32, #tpu.memory_space<hbm>> -> memref<8x768xf32, #tpu.memory_space<hbm>>
    tpu.enqueue_dma source(%dma_start3A_180 : memref<8x768xf32, #tpu.memory_space<hbm>>) target(%dma_start3A_178 : memref<8x768xf32, #tpu.memory_space<hbm>>) target_semaphore(%arg12 : memref<!tpu.dma_semaphore, #tpu.memory_space<semaphore_mem>>)
    %eq3A_181 = vector.broadcast %argmax3A_171 : i32 to vector<1x100xi32>
    %eq3A_182 = arith.cmpi eq, %iota3A, %eq3A_181 : vector<1x100xi32>
    %jit3A_183 = arith.constant 0xFF800000 : f32
    %broadcast_in_dim3A_184 = vector.broadcast %jit3A_183 : f32 to vector<1x100xf32>
    %select_n3A_185 = arith.select %eq3A_182, %broadcast_in_dim3A_184, %select_n3A_167 : vector<1x100xi1>, vector<1x100xf32>
    %squeeze3A_186 = vector.shape_cast %select_n3A_185 : vector<1x100xf32> to vector<100xf32>
    %argmax3A_187 = vector.shape_cast %squeeze3A_186 : vector<100xf32> to vector<1x100xf32>
    %argmax3A_188 = tpu.reduce_index %argmax3A_187 {axis = 1 : i32, kind = #tpu.reduction_kind<arg_max>} : vector<1x100xf32> -> vector<1xi32>
    %argmax3A_189 = vector.extract %argmax3A_188[0] : i32 from vector<1xi32>
    %mul3A_190 = arith.constant 8 : i32
    %mul3A_191 = arith.muli %argmax3A_189, %mul3A_190 : i32
    %dma_start3A_192 = arith.constant 0 : i32
    %dma_start3A_193 = arith.constant 40 : i32
    %dma_start3A_194 = arith.constant 0 : i32
    %dma_start3A_195 = tpu.memref_slice %arg8[%dma_start3A_192, %dma_start3A_193, %dma_start3A_194] : memref<4x2097x768xf32, #tpu.memory_space<hbm>> -> memref<1x8x768xf32, #tpu.memory_space<hbm>>
    %dma_start3A_196 = tpu.memref_squeeze %dma_start3A_195 : memref<1x8x768xf32, #tpu.memory_space<hbm>> -> memref<8x768xf32, #tpu.memory_space<hbm>>
    %dma_start3A_197 = arith.constant 0 : i32
    %dma_start3A_198 = tpu.memref_slice %arg5[%mul3A_191, %dma_start3A_197] : memref<800x768xf32, #tpu.memory_space<hbm>> -> memref<8x768xf32, #tpu.memory_space<hbm>>
    tpu.enqueue_dma source(%dma_start3A_198 : memref<8x768xf32, #tpu.memory_space<hbm>>) target(%dma_start3A_196 : memref<8x768xf32, #tpu.memory_space<hbm>>) target_semaphore(%arg12 : memref<!tpu.dma_semaphore, #tpu.memory_space<semaphore_mem>>)
    %dma_start3A_199 = arith.constant 1 : i32
    %dma_start3A_200 = arith.constant 0 : i32
    %dma_start3A_201 = arith.constant 0 : i32
    %dma_start3A_202 = arith.constant 0 : i32
    %dma_start3A_203 = tpu.memref_slice %arg9[%dma_start3A_200, %dma_start3A_201, %dma_start3A_202] : memref<2x8x768xf32, #tpu.memory_space<vmem>> -> memref<1x8x768xf32, #tpu.memory_space<vmem>>
    %dma_start3A_204 = tpu.memref_squeeze %dma_start3A_203 : memref<1x8x768xf32, #tpu.memory_space<vmem>> -> memref<8x768xf32, #tpu.memory_space<vmem>>
    %dma_start3A_205 = arith.constant 0 : i32
    %dma_start3A_206 = arith.constant 0 : i32
    %dma_start3A_207 = tpu.memref_slice %arg3[%dma_start3A_199, %dma_start3A_205, %dma_start3A_206] : memref<4x2048x768xf32, #tpu.memory_space<hbm>> -> memref<1x8x768xf32, #tpu.memory_space<hbm>>
    %dma_start3A_208 = tpu.memref_squeeze %dma_start3A_207 : memref<1x8x768xf32, #tpu.memory_space<hbm>> -> memref<8x768xf32, #tpu.memory_space<hbm>>
    tpu.enqueue_dma source(%dma_start3A_208 : memref<8x768xf32, #tpu.memory_space<hbm>>) target(%dma_start3A_204 : memref<8x768xf32, #tpu.memory_space<vmem>>) target_semaphore(%arg11 : memref<!tpu.dma_semaphore, #tpu.memory_space<semaphore_mem>>)
    %dma_start3A_209 = arith.constant 1 : i32
    %dma_start3A_210 = arith.constant 1 : i32
    %dma_start3A_211 = arith.constant 0 : i32
    %dma_start3A_212 = arith.constant 0 : i32
    %dma_start3A_213 = tpu.memref_slice %arg9[%dma_start3A_210, %dma_start3A_211, %dma_start3A_212] : memref<2x8x768xf32, #tpu.memory_space<vmem>> -> memref<1x8x768xf32, #tpu.memory_space<vmem>>
    %dma_start3A_214 = tpu.memref_squeeze %dma_start3A_213 : memref<1x8x768xf32, #tpu.memory_space<vmem>> -> memref<8x768xf32, #tpu.memory_space<vmem>>
    %dma_start3A_215 = arith.constant 2040 : i32
    %dma_start3A_216 = arith.constant 0 : i32
    %dma_start3A_217 = tpu.memref_slice %arg3[%dma_start3A_209, %dma_start3A_215, %dma_start3A_216] : memref<4x2048x768xf32, #tpu.memory_space<hbm>> -> memref<1x8x768xf32, #tpu.memory_space<hbm>>
    %dma_start3A_218 = tpu.memref_squeeze %dma_start3A_217 : memref<1x8x768xf32, #tpu.memory_space<hbm>> -> memref<8x768xf32, #tpu.memory_space<hbm>>
    tpu.enqueue_dma source(%dma_start3A_218 : memref<8x768xf32, #tpu.memory_space<hbm>>) target(%dma_start3A_214 : memref<8x768xf32, #tpu.memory_space<vmem>>) target_semaphore(%arg11 : memref<!tpu.dma_semaphore, #tpu.memory_space<semaphore_mem>>)
    %dma_wait3A_219 = arith.constant 1 : i32
    %dma_wait3A_220 = arith.constant 0 : i32
    %dma_wait3A_221 = arith.constant 0 : i32
    %dma_wait3A_222 = arith.constant 0 : i32
    %dma_wait3A_223 = tpu.memref_slice %arg9[%dma_wait3A_220, %dma_wait3A_221, %dma_wait3A_222] : memref<2x8x768xf32, #tpu.memory_space<vmem>> -> memref<1x8x768xf32, #tpu.memory_space<vmem>>
    %dma_wait3A_224 = tpu.memref_squeeze %dma_wait3A_223 : memref<1x8x768xf32, #tpu.memory_space<vmem>> -> memref<8x768xf32, #tpu.memory_space<vmem>>
    %dma_wait3A_225 = arith.constant 0 : i32
    %dma_wait3A_226 = arith.constant 0 : i32
    %dma_wait3A_227 = tpu.memref_slice %arg3[%dma_wait3A_219, %dma_wait3A_225, %dma_wait3A_226] : memref<4x2048x768xf32, #tpu.memory_space<hbm>> -> memref<1x8x768xf32, #tpu.memory_space<hbm>>
    %dma_wait3A_228 = tpu.memref_squeeze %dma_wait3A_227 : memref<1x8x768xf32, #tpu.memory_space<hbm>> -> memref<8x768xf32, #tpu.memory_space<hbm>>
    tpu.wait_dma2 semaphore(%arg11 : memref<!tpu.dma_semaphore, #tpu.memory_space<semaphore_mem>>) src(%dma_wait3A_228 : memref<8x768xf32, #tpu.memory_space<hbm>>) dst(%dma_wait3A_224 : memref<8x768xf32, #tpu.memory_space<vmem>>)
    %dma_wait3A_229 = arith.constant 1 : i32
    %dma_wait3A_230 = arith.constant 1 : i32
    %dma_wait3A_231 = arith.constant 0 : i32
    %dma_wait3A_232 = arith.constant 0 : i32
    %dma_wait3A_233 = tpu.memref_slice %arg9[%dma_wait3A_230, %dma_wait3A_231, %dma_wait3A_232] : memref<2x8x768xf32, #tpu.memory_space<vmem>> -> memref<1x8x768xf32, #tpu.memory_space<vmem>>
    %dma_wait3A_234 = tpu.memref_squeeze %dma_wait3A_233 : memref<1x8x768xf32, #tpu.memory_space<vmem>> -> memref<8x768xf32, #tpu.memory_space<vmem>>
    %dma_wait3A_235 = arith.constant 2040 : i32
    %dma_wait3A_236 = arith.constant 0 : i32
    %dma_wait3A_237 = tpu.memref_slice %arg3[%dma_wait3A_229, %dma_wait3A_235, %dma_wait3A_236] : memref<4x2048x768xf32, #tpu.memory_space<hbm>> -> memref<1x8x768xf32, #tpu.memory_space<hbm>>
    %dma_wait3A_238 = tpu.memref_squeeze %dma_wait3A_237 : memref<1x8x768xf32, #tpu.memory_space<hbm>> -> memref<8x768xf32, #tpu.memory_space<hbm>>
    tpu.wait_dma2 semaphore(%arg11 : memref<!tpu.dma_semaphore, #tpu.memory_space<semaphore_mem>>) src(%dma_wait3A_238 : memref<8x768xf32, #tpu.memory_space<hbm>>) dst(%dma_wait3A_234 : memref<8x768xf32, #tpu.memory_space<vmem>>)
    %get3A_239 = arith.constant 0 : index
    %get3A_240 = arith.constant 0 : index
    %get3A_241 = arith.constant 0 : index
    %get3A_242 = vector.load %arg9[%get3A_239, %get3A_240, %get3A_241] : memref<2x8x768xf32, #tpu.memory_space<vmem>>, vector<1x8x768xf32>
    %get3A_243 = vector.shape_cast %get3A_242 : vector<1x8x768xf32> to vector<8x768xf32>
    %get3A_244 = arith.constant 1 : index
    %get3A_245 = arith.constant 0 : index
    %get3A_246 = arith.constant 0 : index
    %get3A_247 = vector.load %arg9[%get3A_244, %get3A_245, %get3A_246] : memref<2x8x768xf32, #tpu.memory_space<vmem>>, vector<1x8x768xf32>
    %get3A_248 = vector.shape_cast %get3A_247 : vector<1x8x768xf32> to vector<8x768xf32>
    %get3A_249 = arith.constant 0 : index
    %get3A_250 = arith.constant 0 : index
    %get3A_251 = vector.load %arg7[%get3A_249, %get3A_250] : memref<1x768xf32, #tpu.memory_space<vmem>>, vector<1x768xf32>
    %slice3A_252 = vector.extract_strided_slice %get3A_243 {offsets = [0, 0], sizes = [7, 768], strides = [1, 1]} : vector<8x768xf32> to vector<7x768xf32>
    %concatenate3A_253 = tpu.concatenate %get3A_251, %slice3A_252 in 0 : vector<1x768xf32>, vector<7x768xf32> -> vector<8x768xf32>
    %swap3A_254 = arith.constant 0 : index
    %swap3A_255 = arith.constant 0 : index
    %swap3A_256 = arith.constant 0 : index
    %swap3A_257 = vector.load %arg10[%swap3A_254, %swap3A_255, %swap3A_256] : memref<2x8x768xf32, #tpu.memory_space<vmem>>, vector<1x8x768xf32>
    %swap3A_258 = vector.shape_cast %swap3A_257 : vector<1x8x768xf32> to vector<8x768xf32>
    %swap3A_259 = vector.shape_cast %concatenate3A_253 : vector<8x768xf32> to vector<1x8x768xf32>
    tpu.vector_store %arg10[%swap3A_254, %swap3A_255, %swap3A_256], %swap3A_259 {strides = array<i32>} : memref<2x8x768xf32, #tpu.memory_space<vmem>>, vector<1x8x768xf32>,
    %slice3A_260 = vector.extract_strided_slice %get3A_248 {offsets = [7, 0], sizes = [1, 768], strides = [1, 1]} : vector<8x768xf32> to vector<1x768xf32>
    %slice3A_261 = vector.extract_strided_slice %get3A_248 {offsets = [0, 0], sizes = [7, 768], strides = [1, 1]} : vector<8x768xf32> to vector<7x768xf32>
    %concatenate3A_262 = tpu.concatenate %slice3A_260, %slice3A_261 in 0 : vector<1x768xf32>, vector<7x768xf32> -> vector<8x768xf32>
    %swap3A_263 = arith.constant 1 : index
    %swap3A_264 = arith.constant 0 : index
    %swap3A_265 = arith.constant 0 : index
    %swap3A_266 = vector.load %arg10[%swap3A_263, %swap3A_264, %swap3A_265] : memref<2x8x768xf32, #tpu.memory_space<vmem>>, vector<1x8x768xf32>
    %swap3A_267 = vector.shape_cast %swap3A_266 : vector<1x8x768xf32> to vector<8x768xf32>
    %swap3A_268 = vector.shape_cast %concatenate3A_262 : vector<8x768xf32> to vector<1x8x768xf32>
    tpu.vector_store %arg10[%swap3A_263, %swap3A_264, %swap3A_265], %swap3A_268 {strides = array<i32>} : memref<2x8x768xf32, #tpu.memory_space<vmem>>, vector<1x8x768xf32>,
    %dma_start3A_269 = arith.constant 0 : i32
    %dma_start3A_270 = arith.constant 1 : i32
    %dma_start3A_271 = arith.constant 48 : i32
    %dma_start3A_272 = arith.constant 0 : i32
    %dma_start3A_273 = tpu.memref_slice %arg8[%dma_start3A_270, %dma_start3A_271, %dma_start3A_272] : memref<4x2097x768xf32, #tpu.memory_space<hbm>> -> memref<1x8x768xf32, #tpu.memory_space<hbm>>
    %dma_start3A_274 = tpu.memref_squeeze %dma_start3A_273 : memref<1x8x768xf32, #tpu.memory_space<hbm>> -> memref<8x768xf32, #tpu.memory_space<hbm>>
    %dma_start3A_275 = arith.constant 0 : i32
    %dma_start3A_276 = arith.constant 0 : i32
    %dma_start3A_277 = tpu.memref_slice %arg10[%dma_start3A_269, %dma_start3A_275, %dma_start3A_276] : memref<2x8x768xf32, #tpu.memory_space<vmem>> -> memref<1x8x768xf32, #tpu.memory_space<vmem>>
    %dma_start3A_278 = tpu.memref_squeeze %dma_start3A_277 : memref<1x8x768xf32, #tpu.memory_space<vmem>> -> memref<8x768xf32, #tpu.memory_space<vmem>>
    tpu.enqueue_dma source(%dma_start3A_278 : memref<8x768xf32, #tpu.memory_space<vmem>>) target(%dma_start3A_274 : memref<8x768xf32, #tpu.memory_space<hbm>>) target_semaphore(%arg12 : memref<!tpu.dma_semaphore, #tpu.memory_space<semaphore_mem>>)
    %dma_start3A_279 = arith.constant 1 : i32
    %dma_start3A_280 = arith.constant 1 : i32
    %dma_start3A_281 = arith.constant 2096 : i32
    %dma_start3A_282 = arith.constant 0 : i32
    %dma_start3A_283 = tpu.memref_slice %arg8[%dma_start3A_280, %dma_start3A_281, %dma_start3A_282] : memref<4x2097x768xf32, #tpu.memory_space<hbm>> -> memref<1x1x768xf32, #tpu.memory_space<hbm>>
    %dma_start3A_284 = tpu.memref_squeeze %dma_start3A_283 : memref<1x1x768xf32, #tpu.memory_space<hbm>> -> memref<1x768xf32, #tpu.memory_space<hbm>>
    %dma_start3A_285 = arith.constant 0 : i32
    %dma_start3A_286 = arith.constant 0 : i32
    %dma_start3A_287 = tpu.memref_slice %arg10[%dma_start3A_279, %dma_start3A_285, %dma_start3A_286] : memref<2x8x768xf32, #tpu.memory_space<vmem>> -> memref<1x1x768xf32, #tpu.memory_space<vmem>>
    %dma_start3A_288 = tpu.memref_squeeze %dma_start3A_287 : memref<1x1x768xf32, #tpu.memory_space<vmem>> -> memref<1x768xf32, #tpu.memory_space<vmem>>
    tpu.enqueue_dma source(%dma_start3A_288 : memref<1x768xf32, #tpu.memory_space<vmem>>) target(%dma_start3A_284 : memref<1x768xf32, #tpu.memory_space<hbm>>) target_semaphore(%arg12 : memref<!tpu.dma_semaphore, #tpu.memory_space<semaphore_mem>>)
    %get3A_289 = arith.constant 1 : index
    %get3A_290 = arith.constant 0 : index
    %get3A_291 = arith.constant 0 : index
    %get3A_292 = vector.load %arg2[%get3A_289, %get3A_290, %get3A_291] : memref<4x1x768xf32, #tpu.memory_space<vmem>>, vector<1x1x768xf32>
    %get3A_293 = vector.shape_cast %get3A_292 : vector<1x1x768xf32> to vector<1x768xf32>
    %mul3A_294 = arith.mulf %get3A_293, %get3A_293 : vector<1x768xf32>
    %reduce_sum3A_295 = vector.shape_cast %mul3A_294 : vector<1x768xf32> to vector<1x1x768xf32>
    %reduce_sum3A_296 = arith.constant dense<0.000000e+00> : vector<1xf32>
    %reduce_sum3A_297 = vector.multi_reduction <add>, %reduce_sum3A_295, %reduce_sum3A_296 [1, 2] : vector<1x1x768xf32> to vector<1xf32>
    %reduce_sum3A_298 = vector.shape_cast %reduce_sum3A_297 : vector<1xf32> to vector<1x1x1xf32>
    %reduce_sum3A_299 = vector.extract %reduce_sum3A_298[0, 0, 0] : f32 from vector<1x1x1xf32>
    %sqrt3A_300 = math.sqrt %reduce_sum3A_299 : f32
    %max3A_301 = arith.constant 9.99999996E-13 : f32
    %max3A_302 = arith.maximumf %sqrt3A_300, %max3A_301 : f32
    %div3A_303 = vector.broadcast %max3A_302 : f32 to vector<1x768xf32>
    %div3A_304 = arith.divf %get3A_293, %div3A_303 : vector<1x768xf32>
    %dot_general3A_305 = arith.constant dense<0.000000e+00> : vector<1x100xf32>
    %dot_general3A_306 = tpu.matmul %div3A_304, %div3A_5, %dot_general3A_305 {dimension_numbers = #tpu.dot_dimension_numbers<[1], [1], [0], [0], [0, 0, 1, 0], [], []>, transpose_lhs_hint = false} : vector<1x768xf32>, vector<100x768xf32>, vector<1x100xf32> -> vector<1x100xf32>
    %mul3A_307 = arith.constant 8 : i32
    %mul3A_308 = arith.muli %get3A_7, %mul3A_307 : i32
    %dma_start3A_309 = arith.constant 1 : i32
    %dma_start3A_310 = arith.constant 0 : i32
    %dma_start3A_311 = arith.constant 0 : i32
    %dma_start3A_312 = tpu.memref_slice %arg8[%dma_start3A_309, %dma_start3A_310, %dma_start3A_311] : memref<4x2097x768xf32, #tpu.memory_space<hbm>> -> memref<1x8x768xf32, #tpu.memory_space<hbm>>
    %dma_start3A_313 = tpu.memref_squeeze %dma_start3A_312 : memref<1x8x768xf32, #tpu.memory_space<hbm>> -> memref<8x768xf32, #tpu.memory_space<hbm>>
    %dma_start3A_314 = arith.constant 0 : i32
    %dma_start3A_315 = tpu.memref_slice %arg4[%mul3A_308, %dma_start3A_314] : memref<80x768xf32, #tpu.memory_space<hbm>> -> memref<8x768xf32, #tpu.memory_space<hbm>>
    tpu.enqueue_dma source(%dma_start3A_315 : memref<8x768xf32, #tpu.memory_space<hbm>>) target(%dma_start3A_313 : memref<8x768xf32, #tpu.memory_space<hbm>>) target_semaphore(%arg12 : memref<!tpu.dma_semaphore, #tpu.memory_space<semaphore_mem>>)
    %iota3A_316 = tpu.iota {dimensions = array<i32: 1>} : vector<1x100xi32>
    %squeeze3A_317 = vector.shape_cast %dot_general3A_306 : vector<1x100xf32> to vector<100xf32>
    %argmax3A_318 = vector.shape_cast %squeeze3A_317 : vector<100xf32> to vector<1x100xf32>
    %argmax3A_319 = tpu.reduce_index %argmax3A_318 {axis = 1 : i32, kind = #tpu.reduction_kind<arg_max>} : vector<1x100xf32> -> vector<1xi32>
    %argmax3A_320 = vector.extract %argmax3A_319[0] : i32 from vector<1xi32>
    %mul3A_321 = arith.constant 8 : i32
    %mul3A_322 = arith.muli %argmax3A_320, %mul3A_321 : i32
    %dma_start3A_323 = arith.constant 1 : i32
    %dma_start3A_324 = arith.constant 8 : i32
    %dma_start3A_325 = arith.constant 0 : i32
    %dma_start3A_326 = tpu.memref_slice %arg8[%dma_start3A_323, %dma_start3A_324, %dma_start3A_325] : memref<4x2097x768xf32, #tpu.memory_space<hbm>> -> memref<1x8x768xf32, #tpu.memory_space<hbm>>
    %dma_start3A_327 = tpu.memref_squeeze %dma_start3A_326 : memref<1x8x768xf32, #tpu.memory_space<hbm>> -> memref<8x768xf32, #tpu.memory_space<hbm>>
    %dma_start3A_328 = arith.constant 0 : i32
    %dma_start3A_329 = tpu.memref_slice %arg5[%mul3A_322, %dma_start3A_328] : memref<800x768xf32, #tpu.memory_space<hbm>> -> memref<8x768xf32, #tpu.memory_space<hbm>>
    tpu.enqueue_dma source(%dma_start3A_329 : memref<8x768xf32, #tpu.memory_space<hbm>>) target(%dma_start3A_327 : memref<8x768xf32, #tpu.memory_space<hbm>>) target_semaphore(%arg12 : memref<!tpu.dma_semaphore, #tpu.memory_space<semaphore_mem>>)
    %eq3A_330 = vector.broadcast %argmax3A_320 : i32 to vector<1x100xi32>
    %eq3A_331 = arith.cmpi eq, %iota3A_316, %eq3A_330 : vector<1x100xi32>
    %jit3A_332 = arith.constant 0xFF800000 : f32
    %broadcast_in_dim3A_333 = vector.broadcast %jit3A_332 : f32 to vector<1x100xf32>
    %select_n3A_334 = arith.select %eq3A_331, %broadcast_in_dim3A_333, %dot_general3A_306 : vector<1x100xi1>, vector<1x100xf32>
    %squeeze3A_335 = vector.shape_cast %select_n3A_334 : vector<1x100xf32> to vector<100xf32>
    %argmax3A_336 = vector.shape_cast %squeeze3A_335 : vector<100xf32> to vector<1x100xf32>
    %argmax3A_337 = tpu.reduce_index %argmax3A_336 {axis = 1 : i32, kind = #tpu.reduction_kind<arg_max>} : vector<1x100xf32> -> vector<1xi32>
    %argmax3A_338 = vector.extract %argmax3A_337[0] : i32 from vector<1xi32>
    %mul3A_339 = arith.constant 8 : i32
    %mul3A_340 = arith.muli %argmax3A_338, %mul3A_339 : i32
    %dma_start3A_341 = arith.constant 1 : i32
    %dma_start3A_342 = arith.constant 16 : i32
    %dma_start3A_343 = arith.constant 0 : i32
    %dma_start3A_344 = tpu.memref_slice %arg8[%dma_start3A_341, %dma_start3A_342, %dma_start3A_343] : memref<4x2097x768xf32, #tpu.memory_space<hbm>> -> memref<1x8x768xf32, #tpu.memory_space<hbm>>
    %dma_start3A_345 = tpu.memref_squeeze %dma_start3A_344 : memref<1x8x768xf32, #tpu.memory_space<hbm>> -> memref<8x768xf32, #tpu.memory_space<hbm>>
    %dma_start3A_346 = arith.constant 0 : i32
    %dma_start3A_347 = tpu.memref_slice %arg5[%mul3A_340, %dma_start3A_346] : memref<800x768xf32, #tpu.memory_space<hbm>> -> memref<8x768xf32, #tpu.memory_space<hbm>>
    tpu.enqueue_dma source(%dma_start3A_347 : memref<8x768xf32, #tpu.memory_space<hbm>>) target(%dma_start3A_345 : memref<8x768xf32, #tpu.memory_space<hbm>>) target_semaphore(%arg12 : memref<!tpu.dma_semaphore, #tpu.memory_space<semaphore_mem>>)
    %eq3A_348 = vector.broadcast %argmax3A_338 : i32 to vector<1x100xi32>
    %eq3A_349 = arith.cmpi eq, %iota3A_316, %eq3A_348 : vector<1x100xi32>
    %jit3A_350 = arith.constant 0xFF800000 : f32
    %broadcast_in_dim3A_351 = vector.broadcast %jit3A_350 : f32 to vector<1x100xf32>
    %select_n3A_352 = arith.select %eq3A_349, %broadcast_in_dim3A_351, %select_n3A_334 : vector<1x100xi1>, vector<1x100xf32>
    %squeeze3A_353 = vector.shape_cast %select_n3A_352 : vector<1x100xf32> to vector<100xf32>
    %argmax3A_354 = vector.shape_cast %squeeze3A_353 : vector<100xf32> to vector<1x100xf32>
    %argmax3A_355 = tpu.reduce_index %argmax3A_354 {axis = 1 : i32, kind = #tpu.reduction_kind<arg_max>} : vector<1x100xf32> -> vector<1xi32>
    %argmax3A_356 = vector.extract %argmax3A_355[0] : i32 from vector<1xi32>
    %mul3A_357 = arith.constant 8 : i32
    %mul3A_358 = arith.muli %argmax3A_356, %mul3A_357 : i32
    %dma_start3A_359 = arith.constant 1 : i32
    %dma_start3A_360 = arith.constant 24 : i32
    %dma_start3A_361 = arith.constant 0 : i32
    %dma_start3A_362 = tpu.memref_slice %arg8[%dma_start3A_359, %dma_start3A_360, %dma_start3A_361] : memref<4x2097x768xf32, #tpu.memory_space<hbm>> -> memref<1x8x768xf32, #tpu.memory_space<hbm>>
    %dma_start3A_363 = tpu.memref_squeeze %dma_start3A_362 : memref<1x8x768xf32, #tpu.memory_space<hbm>> -> memref<8x768xf32, #tpu.memory_space<hbm>>
    %dma_start3A_364 = arith.constant 0 : i32
    %dma_start3A_365 = tpu.memref_slice %arg5[%mul3A_358, %dma_start3A_364] : memref<800x768xf32, #tpu.memory_space<hbm>> -> memref<8x768xf32, #tpu.memory_space<hbm>>
    tpu.enqueue_dma source(%dma_start3A_365 : memref<8x768xf32, #tpu.memory_space<hbm>>) target(%dma_start3A_363 : memref<8x768xf32, #tpu.memory_space<hbm>>) target_semaphore(%arg12 : memref<!tpu.dma_semaphore, #tpu.memory_space<semaphore_mem>>)
    %eq3A_366 = vector.broadcast %argmax3A_356 : i32 to vector<1x100xi32>
    %eq3A_367 = arith.cmpi eq, %iota3A_316, %eq3A_366 : vector<1x100xi32>
    %jit3A_368 = arith.constant 0xFF800000 : f32
    %broadcast_in_dim3A_369 = vector.broadcast %jit3A_368 : f32 to vector<1x100xf32>
    %select_n3A_370 = arith.select %eq3A_367, %broadcast_in_dim3A_369, %select_n3A_352 : vector<1x100xi1>, vector<1x100xf32>
    %squeeze3A_371 = vector.shape_cast %select_n3A_370 : vector<1x100xf32> to vector<100xf32>
    %argmax3A_372 = vector.shape_cast %squeeze3A_371 : vector<100xf32> to vector<1x100xf32>
    %argmax3A_373 = tpu.reduce_index %argmax3A_372 {axis = 1 : i32, kind = #tpu.reduction_kind<arg_max>} : vector<1x100xf32> -> vector<1xi32>
    %argmax3A_374 = vector.extract %argmax3A_373[0] : i32 from vector<1xi32>
    %mul3A_375 = arith.constant 8 : i32
    %mul3A_376 = arith.muli %argmax3A_374, %mul3A_375 : i32
    %dma_start3A_377 = arith.constant 1 : i32
    %dma_start3A_378 = arith.constant 32 : i32
    %dma_start3A_379 = arith.constant 0 : i32
    %dma_start3A_380 = tpu.memref_slice %arg8[%dma_start3A_377, %dma_start3A_378, %dma_start3A_379] : memref<4x2097x768xf32, #tpu.memory_space<hbm>> -> memref<1x8x768xf32, #tpu.memory_space<hbm>>
    %dma_start3A_381 = tpu.memref_squeeze %dma_start3A_380 : memref<1x8x768xf32, #tpu.memory_space<hbm>> -> memref<8x768xf32, #tpu.memory_space<hbm>>
    %dma_start3A_382 = arith.constant 0 : i32
    %dma_start3A_383 = tpu.memref_slice %arg5[%mul3A_376, %dma_start3A_382] : memref<800x768xf32, #tpu.memory_space<hbm>> -> memref<8x768xf32, #tpu.memory_space<hbm>>
    tpu.enqueue_dma source(%dma_start3A_383 : memref<8x768xf32, #tpu.memory_space<hbm>>) target(%dma_start3A_381 : memref<8x768xf32, #tpu.memory_space<hbm>>) target_semaphore(%arg12 : memref<!tpu.dma_semaphore, #tpu.memory_space<semaphore_mem>>)
    %eq3A_384 = vector.broadcast %argmax3A_374 : i32 to vector<1x100xi32>
    %eq3A_385 = arith.cmpi eq, %iota3A_316, %eq3A_384 : vector<1x100xi32>
    %jit3A_386 = arith.constant 0xFF800000 : f32
    %broadcast_in_dim3A_387 = vector.broadcast %jit3A_386 : f32 to vector<1x100xf32>
    %select_n3A_388 = arith.select %eq3A_385, %broadcast_in_dim3A_387, %select_n3A_370 : vector<1x100xi1>, vector<1x100xf32>
    %squeeze3A_389 = vector.shape_cast %select_n3A_388 : vector<1x100xf32> to vector<100xf32>
    %argmax3A_390 = vector.shape_cast %squeeze3A_389 : vector<100xf32> to vector<1x100xf32>
    %argmax3A_391 = tpu.reduce_index %argmax3A_390 {axis = 1 : i32, kind = #tpu.reduction_kind<arg_max>} : vector<1x100xf32> -> vector<1xi32>
    %argmax3A_392 = vector.extract %argmax3A_391[0] : i32 from vector<1xi32>
    %mul3A_393 = arith.constant 8 : i32
    %mul3A_394 = arith.muli %argmax3A_392, %mul3A_393 : i32
    %dma_start3A_395 = arith.constant 1 : i32
    %dma_start3A_396 = arith.constant 40 : i32
    %dma_start3A_397 = arith.constant 0 : i32
    %dma_start3A_398 = tpu.memref_slice %arg8[%dma_start3A_395, %dma_start3A_396, %dma_start3A_397] : memref<4x2097x768xf32, #tpu.memory_space<hbm>> -> memref<1x8x768xf32, #tpu.memory_space<hbm>>
    %dma_start3A_399 = tpu.memref_squeeze %dma_start3A_398 : memref<1x8x768xf32, #tpu.memory_space<hbm>> -> memref<8x768xf32, #tpu.memory_space<hbm>>
    %dma_start3A_400 = arith.constant 0 : i32
    %dma_start3A_401 = tpu.memref_slice %arg5[%mul3A_394, %dma_start3A_400] : memref<800x768xf32, #tpu.memory_space<hbm>> -> memref<8x768xf32, #tpu.memory_space<hbm>>
    tpu.enqueue_dma source(%dma_start3A_401 : memref<8x768xf32, #tpu.memory_space<hbm>>) target(%dma_start3A_399 : memref<8x768xf32, #tpu.memory_space<hbm>>) target_semaphore(%arg12 : memref<!tpu.dma_semaphore, #tpu.memory_space<semaphore_mem>>)
    %dma_start3A_402 = arith.constant 2 : i32
    %dma_start3A_403 = arith.constant 0 : i32
    %dma_start3A_404 = arith.constant 0 : i32
    %dma_start3A_405 = arith.constant 0 : i32
    %dma_start3A_406 = tpu.memref_slice %arg9[%dma_start3A_403, %dma_start3A_404, %dma_start3A_405] : memref<2x8x768xf32, #tpu.memory_space<vmem>> -> memref<1x8x768xf32, #tpu.memory_space<vmem>>
    %dma_start3A_407 = tpu.memref_squeeze %dma_start3A_406 : memref<1x8x768xf32, #tpu.memory_space<vmem>> -> memref<8x768xf32, #tpu.memory_space<vmem>>
    %dma_start3A_408 = arith.constant 0 : i32
    %dma_start3A_409 = arith.constant 0 : i32
    %dma_start3A_410 = tpu.memref_slice %arg3[%dma_start3A_402, %dma_start3A_408, %dma_start3A_409] : memref<4x2048x768xf32, #tpu.memory_space<hbm>> -> memref<1x8x768xf32, #tpu.memory_space<hbm>>
    %dma_start3A_411 = tpu.memref_squeeze %dma_start3A_410 : memref<1x8x768xf32, #tpu.memory_space<hbm>> -> memref<8x768xf32, #tpu.memory_space<hbm>>
    tpu.enqueue_dma source(%dma_start3A_411 : memref<8x768xf32, #tpu.memory_space<hbm>>) target(%dma_start3A_407 : memref<8x768xf32, #tpu.memory_space<vmem>>) target_semaphore(%arg11 : memref<!tpu.dma_semaphore, #tpu.memory_space<semaphore_mem>>)
    %dma_start3A_412 = arith.constant 2 : i32
    %dma_start3A_413 = arith.constant 1 : i32
    %dma_start3A_414 = arith.constant 0 : i32
    %dma_start3A_415 = arith.constant 0 : i32
    %dma_start3A_416 = tpu.memref_slice %arg9[%dma_start3A_413, %dma_start3A_414, %dma_start3A_415] : memref<2x8x768xf32, #tpu.memory_space<vmem>> -> memref<1x8x768xf32, #tpu.memory_space<vmem>>
    %dma_start3A_417 = tpu.memref_squeeze %dma_start3A_416 : memref<1x8x768xf32, #tpu.memory_space<vmem>> -> memref<8x768xf32, #tpu.memory_space<vmem>>
    %dma_start3A_418 = arith.constant 2040 : i32
    %dma_start3A_419 = arith.constant 0 : i32
    %dma_start3A_420 = tpu.memref_slice %arg3[%dma_start3A_412, %dma_start3A_418, %dma_start3A_419] : memref<4x2048x768xf32, #tpu.memory_space<hbm>> -> memref<1x8x768xf32, #tpu.memory_space<hbm>>
    %dma_start3A_421 = tpu.memref_squeeze %dma_start3A_420 : memref<1x8x768xf32, #tpu.memory_space<hbm>> -> memref<8x768xf32, #tpu.memory_space<hbm>>
    tpu.enqueue_dma source(%dma_start3A_421 : memref<8x768xf32, #tpu.memory_space<hbm>>) target(%dma_start3A_417 : memref<8x768xf32, #tpu.memory_space<vmem>>) target_semaphore(%arg11 : memref<!tpu.dma_semaphore, #tpu.memory_space<semaphore_mem>>)
    %dma_wait3A_422 = arith.constant 2 : i32
    %dma_wait3A_423 = arith.constant 0 : i32
    %dma_wait3A_424 = arith.constant 0 : i32
    %dma_wait3A_425 = arith.constant 0 : i32
    %dma_wait3A_426 = tpu.memref_slice %arg9[%dma_wait3A_423, %dma_wait3A_424, %dma_wait3A_425] : memref<2x8x768xf32, #tpu.memory_space<vmem>> -> memref<1x8x768xf32, #tpu.memory_space<vmem>>
    %dma_wait3A_427 = tpu.memref_squeeze %dma_wait3A_426 : memref<1x8x768xf32, #tpu.memory_space<vmem>> -> memref<8x768xf32, #tpu.memory_space<vmem>>
    %dma_wait3A_428 = arith.constant 0 : i32
    %dma_wait3A_429 = arith.constant 0 : i32
    %dma_wait3A_430 = tpu.memref_slice %arg3[%dma_wait3A_422, %dma_wait3A_428, %dma_wait3A_429] : memref<4x2048x768xf32, #tpu.memory_space<hbm>> -> memref<1x8x768xf32, #tpu.memory_space<hbm>>
    %dma_wait3A_431 = tpu.memref_squeeze %dma_wait3A_430 : memref<1x8x768xf32, #tpu.memory_space<hbm>> -> memref<8x768xf32, #tpu.memory_space<hbm>>
    tpu.wait_dma2 semaphore(%arg11 : memref<!tpu.dma_semaphore, #tpu.memory_space<semaphore_mem>>) src(%dma_wait3A_431 : memref<8x768xf32, #tpu.memory_space<hbm>>) dst(%dma_wait3A_427 : memref<8x768xf32, #tpu.memory_space<vmem>>)
    %dma_wait3A_432 = arith.constant 2 : i32
    %dma_wait3A_433 = arith.constant 1 : i32
    %dma_wait3A_434 = arith.constant 0 : i32
    %dma_wait3A_435 = arith.constant 0 : i32
    %dma_wait3A_436 = tpu.memref_slice %arg9[%dma_wait3A_433, %dma_wait3A_434, %dma_wait3A_435] : memref<2x8x768xf32, #tpu.memory_space<vmem>> -> memref<1x8x768xf32, #tpu.memory_space<vmem>>
    %dma_wait3A_437 = tpu.memref_squeeze %dma_wait3A_436 : memref<1x8x768xf32, #tpu.memory_space<vmem>> -> memref<8x768xf32, #tpu.memory_space<vmem>>
    %dma_wait3A_438 = arith.constant 2040 : i32
    %dma_wait3A_439 = arith.constant 0 : i32
    %dma_wait3A_440 = tpu.memref_slice %arg3[%dma_wait3A_432, %dma_wait3A_438, %dma_wait3A_439] : memref<4x2048x768xf32, #tpu.memory_space<hbm>> -> memref<1x8x768xf32, #tpu.memory_space<hbm>>
    %dma_wait3A_441 = tpu.memref_squeeze %dma_wait3A_440 : memref<1x8x768xf32, #tpu.memory_space<hbm>> -> memref<8x768xf32, #tpu.memory_space<hbm>>
    tpu.wait_dma2 semaphore(%arg11 : memref<!tpu.dma_semaphore, #tpu.memory_space<semaphore_mem>>) src(%dma_wait3A_441 : memref<8x768xf32, #tpu.memory_space<hbm>>) dst(%dma_wait3A_437 : memref<8x768xf32, #tpu.memory_space<vmem>>)
    %get3A_442 = arith.constant 0 : index
    %get3A_443 = arith.constant 0 : index
    %get3A_444 = arith.constant 0 : index
    %get3A_445 = vector.load %arg9[%get3A_442, %get3A_443, %get3A_444] : memref<2x8x768xf32, #tpu.memory_space<vmem>>, vector<1x8x768xf32>
    %get3A_446 = vector.shape_cast %get3A_445 : vector<1x8x768xf32> to vector<8x768xf32>
    %get3A_447 = arith.constant 1 : index
    %get3A_448 = arith.constant 0 : index
    %get3A_449 = arith.constant 0 : index
    %get3A_450 = vector.load %arg9[%get3A_447, %get3A_448, %get3A_449] : memref<2x8x768xf32, #tpu.memory_space<vmem>>, vector<1x8x768xf32>
    %get3A_451 = vector.shape_cast %get3A_450 : vector<1x8x768xf32> to vector<8x768xf32>
    %get3A_452 = arith.constant 0 : index
    %get3A_453 = arith.constant 0 : index
    %get3A_454 = vector.load %arg7[%get3A_452, %get3A_453] : memref<1x768xf32, #tpu.memory_space<vmem>>, vector<1x768xf32>
    %slice3A_455 = vector.extract_strided_slice %get3A_446 {offsets = [0, 0], sizes = [7, 768], strides = [1, 1]} : vector<8x768xf32> to vector<7x768xf32>
    %concatenate3A_456 = tpu.concatenate %get3A_454, %slice3A_455 in 0 : vector<1x768xf32>, vector<7x768xf32> -> vector<8x768xf32>
    %swap3A_457 = arith.constant 0 : index
    %swap3A_458 = arith.constant 0 : index
    %swap3A_459 = arith.constant 0 : index
    %swap3A_460 = vector.load %arg10[%swap3A_457, %swap3A_458, %swap3A_459] : memref<2x8x768xf32, #tpu.memory_space<vmem>>, vector<1x8x768xf32>
    %swap3A_461 = vector.shape_cast %swap3A_460 : vector<1x8x768xf32> to vector<8x768xf32>
    %swap3A_462 = vector.shape_cast %concatenate3A_456 : vector<8x768xf32> to vector<1x8x768xf32>
    tpu.vector_store %arg10[%swap3A_457, %swap3A_458, %swap3A_459], %swap3A_462 {strides = array<i32>} : memref<2x8x768xf32, #tpu.memory_space<vmem>>, vector<1x8x768xf32>,
    %slice3A_463 = vector.extract_strided_slice %get3A_451 {offsets = [7, 0], sizes = [1, 768], strides = [1, 1]} : vector<8x768xf32> to vector<1x768xf32>
    %slice3A_464 = vector.extract_strided_slice %get3A_451 {offsets = [0, 0], sizes = [7, 768], strides = [1, 1]} : vector<8x768xf32> to vector<7x768xf32>
    %concatenate3A_465 = tpu.concatenate %slice3A_463, %slice3A_464 in 0 : vector<1x768xf32>, vector<7x768xf32> -> vector<8x768xf32>
    %swap3A_466 = arith.constant 1 : index
    %swap3A_467 = arith.constant 0 : index
    %swap3A_468 = arith.constant 0 : index
    %swap3A_469 = vector.load %arg10[%swap3A_466, %swap3A_467, %swap3A_468] : memref<2x8x768xf32, #tpu.memory_space<vmem>>, vector<1x8x768xf32>
    %swap3A_470 = vector.shape_cast %swap3A_469 : vector<1x8x768xf32> to vector<8x768xf32>
    %swap3A_471 = vector.shape_cast %concatenate3A_465 : vector<8x768xf32> to vector<1x8x768xf32>
    tpu.vector_store %arg10[%swap3A_466, %swap3A_467, %swap3A_468], %swap3A_471 {strides = array<i32>} : memref<2x8x768xf32, #tpu.memory_space<vmem>>, vector<1x8x768xf32>,
    %dma_start3A_472 = arith.constant 0 : i32
    %dma_start3A_473 = arith.constant 2 : i32
    %dma_start3A_474 = arith.constant 48 : i32
    %dma_start3A_475 = arith.constant 0 : i32
    %dma_start3A_476 = tpu.memref_slice %arg8[%dma_start3A_473, %dma_start3A_474, %dma_start3A_475] : memref<4x2097x768xf32, #tpu.memory_space<hbm>> -> memref<1x8x768xf32, #tpu.memory_space<hbm>>
    %dma_start3A_477 = tpu.memref_squeeze %dma_start3A_476 : memref<1x8x768xf32, #tpu.memory_space<hbm>> -> memref<8x768xf32, #tpu.memory_space<hbm>>
    %dma_start3A_478 = arith.constant 0 : i32
    %dma_start3A_479 = arith.constant 0 : i32
    %dma_start3A_480 = tpu.memref_slice %arg10[%dma_start3A_472, %dma_start3A_478, %dma_start3A_479] : memref<2x8x768xf32, #tpu.memory_space<vmem>> -> memref<1x8x768xf32, #tpu.memory_space<vmem>>
    %dma_start3A_481 = tpu.memref_squeeze %dma_start3A_480 : memref<1x8x768xf32, #tpu.memory_space<vmem>> -> memref<8x768xf32, #tpu.memory_space<vmem>>
    tpu.enqueue_dma source(%dma_start3A_481 : memref<8x768xf32, #tpu.memory_space<vmem>>) target(%dma_start3A_477 : memref<8x768xf32, #tpu.memory_space<hbm>>) target_semaphore(%arg12 : memref<!tpu.dma_semaphore, #tpu.memory_space<semaphore_mem>>)
    %dma_start3A_482 = arith.constant 1 : i32
    %dma_start3A_483 = arith.constant 2 : i32
    %dma_start3A_484 = arith.constant 2096 : i32
    %dma_start3A_485 = arith.constant 0 : i32
    %dma_start3A_486 = tpu.memref_slice %arg8[%dma_start3A_483, %dma_start3A_484, %dma_start3A_485] : memref<4x2097x768xf32, #tpu.memory_space<hbm>> -> memref<1x1x768xf32, #tpu.memory_space<hbm>>
    %dma_start3A_487 = tpu.memref_squeeze %dma_start3A_486 : memref<1x1x768xf32, #tpu.memory_space<hbm>> -> memref<1x768xf32, #tpu.memory_space<hbm>>
    %dma_start3A_488 = arith.constant 0 : i32
    %dma_start3A_489 = arith.constant 0 : i32
    %dma_start3A_490 = tpu.memref_slice %arg10[%dma_start3A_482, %dma_start3A_488, %dma_start3A_489] : memref<2x8x768xf32, #tpu.memory_space<vmem>> -> memref<1x1x768xf32, #tpu.memory_space<vmem>>
    %dma_start3A_491 = tpu.memref_squeeze %dma_start3A_490 : memref<1x1x768xf32, #tpu.memory_space<vmem>> -> memref<1x768xf32, #tpu.memory_space<vmem>>
    tpu.enqueue_dma source(%dma_start3A_491 : memref<1x768xf32, #tpu.memory_space<vmem>>) target(%dma_start3A_487 : memref<1x768xf32, #tpu.memory_space<hbm>>) target_semaphore(%arg12 : memref<!tpu.dma_semaphore, #tpu.memory_space<semaphore_mem>>)
    %get3A_492 = arith.constant 2 : index
    %get3A_493 = arith.constant 0 : index
    %get3A_494 = arith.constant 0 : index
    %get3A_495 = vector.load %arg2[%get3A_492, %get3A_493, %get3A_494] : memref<4x1x768xf32, #tpu.memory_space<vmem>>, vector<1x1x768xf32>
    %get3A_496 = vector.shape_cast %get3A_495 : vector<1x1x768xf32> to vector<1x768xf32>
    %mul3A_497 = arith.mulf %get3A_496, %get3A_496 : vector<1x768xf32>
    %reduce_sum3A_498 = vector.shape_cast %mul3A_497 : vector<1x768xf32> to vector<1x1x768xf32>
    %reduce_sum3A_499 = arith.constant dense<0.000000e+00> : vector<1xf32>
    %reduce_sum3A_500 = vector.multi_reduction <add>, %reduce_sum3A_498, %reduce_sum3A_499 [1, 2] : vector<1x1x768xf32> to vector<1xf32>
    %reduce_sum3A_501 = vector.shape_cast %reduce_sum3A_500 : vector<1xf32> to vector<1x1x1xf32>
    %reduce_sum3A_502 = vector.extract %reduce_sum3A_501[0, 0, 0] : f32 from vector<1x1x1xf32>
    %sqrt3A_503 = math.sqrt %reduce_sum3A_502 : f32
    %max3A_504 = arith.constant 9.99999996E-13 : f32
    %max3A_505 = arith.maximumf %sqrt3A_503, %max3A_504 : f32
    %div3A_506 = vector.broadcast %max3A_505 : f32 to vector<1x768xf32>
    %div3A_507 = arith.divf %get3A_496, %div3A_506 : vector<1x768xf32>
    %dot_general3A_508 = arith.constant dense<0.000000e+00> : vector<1x100xf32>
    %dot_general3A_509 = tpu.matmul %div3A_507, %div3A_5, %dot_general3A_508 {dimension_numbers = #tpu.dot_dimension_numbers<[1], [1], [0], [0], [0, 0, 1, 0], [], []>, transpose_lhs_hint = false} : vector<1x768xf32>, vector<100x768xf32>, vector<1x100xf32> -> vector<1x100xf32>
    %mul3A_510 = arith.constant 8 : i32
    %mul3A_511 = arith.muli %get3A_7, %mul3A_510 : i32
    %dma_start3A_512 = arith.constant 2 : i32
    %dma_start3A_513 = arith.constant 0 : i32
    %dma_start3A_514 = arith.constant 0 : i32
    %dma_start3A_515 = tpu.memref_slice %arg8[%dma_start3A_512, %dma_start3A_513, %dma_start3A_514] : memref<4x2097x768xf32, #tpu.memory_space<hbm>> -> memref<1x8x768xf32, #tpu.memory_space<hbm>>
    %dma_start3A_516 = tpu.memref_squeeze %dma_start3A_515 : memref<1x8x768xf32, #tpu.memory_space<hbm>> -> memref<8x768xf32, #tpu.memory_space<hbm>>
    %dma_start3A_517 = arith.constant 0 : i32
    %dma_start3A_518 = tpu.memref_slice %arg4[%mul3A_511, %dma_start3A_517] : memref<80x768xf32, #tpu.memory_space<hbm>> -> memref<8x768xf32, #tpu.memory_space<hbm>>
    tpu.enqueue_dma source(%dma_start3A_518 : memref<8x768xf32, #tpu.memory_space<hbm>>) target(%dma_start3A_516 : memref<8x768xf32, #tpu.memory_space<hbm>>) target_semaphore(%arg12 : memref<!tpu.dma_semaphore, #tpu.memory_space<semaphore_mem>>)
    %iota3A_519 = tpu.iota {dimensions = array<i32: 1>} : vector<1x100xi32>
    %squeeze3A_520 = vector.shape_cast %dot_general3A_509 : vector<1x100xf32> to vector<100xf32>
    %argmax3A_521 = vector.shape_cast %squeeze3A_520 : vector<100xf32> to vector<1x100xf32>
    %argmax3A_522 = tpu.reduce_index %argmax3A_521 {axis = 1 : i32, kind = #tpu.reduction_kind<arg_max>} : vector<1x100xf32> -> vector<1xi32>
    %argmax3A_523 = vector.extract %argmax3A_522[0] : i32 from vector<1xi32>
    %mul3A_524 = arith.constant 8 : i32
    %mul3A_525 = arith.muli %argmax3A_523, %mul3A_524 : i32
    %dma_start3A_526 = arith.constant 2 : i32
    %dma_start3A_527 = arith.constant 8 : i32
    %dma_start3A_528 = arith.constant 0 : i32
    %dma_start3A_529 = tpu.memref_slice %arg8[%dma_start3A_526, %dma_start3A_527, %dma_start3A_528] : memref<4x2097x768xf32, #tpu.memory_space<hbm>> -> memref<1x8x768xf32, #tpu.memory_space<hbm>>
    %dma_start3A_530 = tpu.memref_squeeze %dma_start3A_529 : memref<1x8x768xf32, #tpu.memory_space<hbm>> -> memref<8x768xf32, #tpu.memory_space<hbm>>
    %dma_start3A_531 = arith.constant 0 : i32
    %dma_start3A_532 = tpu.memref_slice %arg5[%mul3A_525, %dma_start3A_531] : memref<800x768xf32, #tpu.memory_space<hbm>> -> memref<8x768xf32, #tpu.memory_space<hbm>>
    tpu.enqueue_dma source(%dma_start3A_532 : memref<8x768xf32, #tpu.memory_space<hbm>>) target(%dma_start3A_530 : memref<8x768xf32, #tpu.memory_space<hbm>>) target_semaphore(%arg12 : memref<!tpu.dma_semaphore, #tpu.memory_space<semaphore_mem>>)
    %eq3A_533 = vector.broadcast %argmax3A_523 : i32 to vector<1x100xi32>
    %eq3A_534 = arith.cmpi eq, %iota3A_519, %eq3A_533 : vector<1x100xi32>
    %jit3A_535 = arith.constant 0xFF800000 : f32
    %broadcast_in_dim3A_536 = vector.broadcast %jit3A_535 : f32 to vector<1x100xf32>
    %select_n3A_537 = arith.select %eq3A_534, %broadcast_in_dim3A_536, %dot_general3A_509 : vector<1x100xi1>, vector<1x100xf32>
    %squeeze3A_538 = vector.shape_cast %select_n3A_537 : vector<1x100xf32> to vector<100xf32>
    %argmax3A_539 = vector.shape_cast %squeeze3A_538 : vector<100xf32> to vector<1x100xf32>
    %argmax3A_540 = tpu.reduce_index %argmax3A_539 {axis = 1 : i32, kind = #tpu.reduction_kind<arg_max>} : vector<1x100xf32> -> vector<1xi32>
    %argmax3A_541 = vector.extract %argmax3A_540[0] : i32 from vector<1xi32>
    %mul3A_542 = arith.constant 8 : i32
    %mul3A_543 = arith.muli %argmax3A_541, %mul3A_542 : i32
    %dma_start3A_544 = arith.constant 2 : i32
    %dma_start3A_545 = arith.constant 16 : i32
    %dma_start3A_546 = arith.constant 0 : i32
    %dma_start3A_547 = tpu.memref_slice %arg8[%dma_start3A_544, %dma_start3A_545, %dma_start3A_546] : memref<4x2097x768xf32, #tpu.memory_space<hbm>> -> memref<1x8x768xf32, #tpu.memory_space<hbm>>
    %dma_start3A_548 = tpu.memref_squeeze %dma_start3A_547 : memref<1x8x768xf32, #tpu.memory_space<hbm>> -> memref<8x768xf32, #tpu.memory_space<hbm>>
    %dma_start3A_549 = arith.constant 0 : i32
    %dma_start3A_550 = tpu.memref_slice %arg5[%mul3A_543, %dma_start3A_549] : memref<800x768xf32, #tpu.memory_space<hbm>> -> memref<8x768xf32, #tpu.memory_space<hbm>>
    tpu.enqueue_dma source(%dma_start3A_550 : memref<8x768xf32, #tpu.memory_space<hbm>>) target(%dma_start3A_548 : memref<8x768xf32, #tpu.memory_space<hbm>>) target_semaphore(%arg12 : memref<!tpu.dma_semaphore, #tpu.memory_space<semaphore_mem>>)
    %eq3A_551 = vector.broadcast %argmax3A_541 : i32 to vector<1x100xi32>
    %eq3A_552 = arith.cmpi eq, %iota3A_519, %eq3A_551 : vector<1x100xi32>
    %jit3A_553 = arith.constant 0xFF800000 : f32
    %broadcast_in_dim3A_554 = vector.broadcast %jit3A_553 : f32 to vector<1x100xf32>
    %select_n3A_555 = arith.select %eq3A_552, %broadcast_in_dim3A_554, %select_n3A_537 : vector<1x100xi1>, vector<1x100xf32>
    %squeeze3A_556 = vector.shape_cast %select_n3A_555 : vector<1x100xf32> to vector<100xf32>
    %argmax3A_557 = vector.shape_cast %squeeze3A_556 : vector<100xf32> to vector<1x100xf32>
    %argmax3A_558 = tpu.reduce_index %argmax3A_557 {axis = 1 : i32, kind = #tpu.reduction_kind<arg_max>} : vector<1x100xf32> -> vector<1xi32>
    %argmax3A_559 = vector.extract %argmax3A_558[0] : i32 from vector<1xi32>
    %mul3A_560 = arith.constant 8 : i32
    %mul3A_561 = arith.muli %argmax3A_559, %mul3A_560 : i32
    %dma_start3A_562 = arith.constant 2 : i32
    %dma_start3A_563 = arith.constant 24 : i32
    %dma_start3A_564 = arith.constant 0 : i32
    %dma_start3A_565 = tpu.memref_slice %arg8[%dma_start3A_562, %dma_start3A_563, %dma_start3A_564] : memref<4x2097x768xf32, #tpu.memory_space<hbm>> -> memref<1x8x768xf32, #tpu.memory_space<hbm>>
    %dma_start3A_566 = tpu.memref_squeeze %dma_start3A_565 : memref<1x8x768xf32, #tpu.memory_space<hbm>> -> memref<8x768xf32, #tpu.memory_space<hbm>>
    %dma_start3A_567 = arith.constant 0 : i32
    %dma_start3A_568 = tpu.memref_slice %arg5[%mul3A_561, %dma_start3A_567] : memref<800x768xf32, #tpu.memory_space<hbm>> -> memref<8x768xf32, #tpu.memory_space<hbm>>
    tpu.enqueue_dma source(%dma_start3A_568 : memref<8x768xf32, #tpu.memory_space<hbm>>) target(%dma_start3A_566 : memref<8x768xf32, #tpu.memory_space<hbm>>) target_semaphore(%arg12 : memref<!tpu.dma_semaphore, #tpu.memory_space<semaphore_mem>>)
    %eq3A_569 = vector.broadcast %argmax3A_559 : i32 to vector<1x100xi32>
    %eq3A_570 = arith.cmpi eq, %iota3A_519, %eq3A_569 : vector<1x100xi32>
    %jit3A_571 = arith.constant 0xFF800000 : f32
    %broadcast_in_dim3A_572 = vector.broadcast %jit3A_571 : f32 to vector<1x100xf32>
    %select_n3A_573 = arith.select %eq3A_570, %broadcast_in_dim3A_572, %select_n3A_555 : vector<1x100xi1>, vector<1x100xf32>
    %squeeze3A_574 = vector.shape_cast %select_n3A_573 : vector<1x100xf32> to vector<100xf32>
    %argmax3A_575 = vector.shape_cast %squeeze3A_574 : vector<100xf32> to vector<1x100xf32>
    %argmax3A_576 = tpu.reduce_index %argmax3A_575 {axis = 1 : i32, kind = #tpu.reduction_kind<arg_max>} : vector<1x100xf32> -> vector<1xi32>
    %argmax3A_577 = vector.extract %argmax3A_576[0] : i32 from vector<1xi32>
    %mul3A_578 = arith.constant 8 : i32
    %mul3A_579 = arith.muli %argmax3A_577, %mul3A_578 : i32
    %dma_start3A_580 = arith.constant 2 : i32
    %dma_start3A_581 = arith.constant 32 : i32
    %dma_start3A_582 = arith.constant 0 : i32
    %dma_start3A_583 = tpu.memref_slice %arg8[%dma_start3A_580, %dma_start3A_581, %dma_start3A_582] : memref<4x2097x768xf32, #tpu.memory_space<hbm>> -> memref<1x8x768xf32, #tpu.memory_space<hbm>>
    %dma_start3A_584 = tpu.memref_squeeze %dma_start3A_583 : memref<1x8x768xf32, #tpu.memory_space<hbm>> -> memref<8x768xf32, #tpu.memory_space<hbm>>
    %dma_start3A_585 = arith.constant 0 : i32
    %dma_start3A_586 = tpu.memref_slice %arg5[%mul3A_579, %dma_start3A_585] : memref<800x768xf32, #tpu.memory_space<hbm>> -> memref<8x768xf32, #tpu.memory_space<hbm>>
    tpu.enqueue_dma source(%dma_start3A_586 : memref<8x768xf32, #tpu.memory_space<hbm>>) target(%dma_start3A_584 : memref<8x768xf32, #tpu.memory_space<hbm>>) target_semaphore(%arg12 : memref<!tpu.dma_semaphore, #tpu.memory_space<semaphore_mem>>)
    %eq3A_587 = vector.broadcast %argmax3A_577 : i32 to vector<1x100xi32>
    %eq3A_588 = arith.cmpi eq, %iota3A_519, %eq3A_587 : vector<1x100xi32>
    %jit3A_589 = arith.constant 0xFF800000 : f32
    %broadcast_in_dim3A_590 = vector.broadcast %jit3A_589 : f32 to vector<1x100xf32>
    %select_n3A_591 = arith.select %eq3A_588, %broadcast_in_dim3A_590, %select_n3A_573 : vector<1x100xi1>, vector<1x100xf32>
    %squeeze3A_592 = vector.shape_cast %select_n3A_591 : vector<1x100xf32> to vector<100xf32>
    %argmax3A_593 = vector.shape_cast %squeeze3A_592 : vector<100xf32> to vector<1x100xf32>
    %argmax3A_594 = tpu.reduce_index %argmax3A_593 {axis = 1 : i32, kind = #tpu.reduction_kind<arg_max>} : vector<1x100xf32> -> vector<1xi32>
    %argmax3A_595 = vector.extract %argmax3A_594[0] : i32 from vector<1xi32>
    %mul3A_596 = arith.constant 8 : i32
    %mul3A_597 = arith.muli %argmax3A_595, %mul3A_596 : i32
    %dma_start3A_598 = arith.constant 2 : i32
    %dma_start3A_599 = arith.constant 40 : i32
    %dma_start3A_600 = arith.constant 0 : i32
    %dma_start3A_601 = tpu.memref_slice %arg8[%dma_start3A_598, %dma_start3A_599, %dma_start3A_600] : memref<4x2097x768xf32, #tpu.memory_space<hbm>> -> memref<1x8x768xf32, #tpu.memory_space<hbm>>
    %dma_start3A_602 = tpu.memref_squeeze %dma_start3A_601 : memref<1x8x768xf32, #tpu.memory_space<hbm>> -> memref<8x768xf32, #tpu.memory_space<hbm>>
    %dma_start3A_603 = arith.constant 0 : i32
    %dma_start3A_604 = tpu.memref_slice %arg5[%mul3A_597, %dma_start3A_603] : memref<800x768xf32, #tpu.memory_space<hbm>> -> memref<8x768xf32, #tpu.memory_space<hbm>>
    tpu.enqueue_dma source(%dma_start3A_604 : memref<8x768xf32, #tpu.memory_space<hbm>>) target(%dma_start3A_602 : memref<8x768xf32, #tpu.memory_space<hbm>>) target_semaphore(%arg12 : memref<!tpu.dma_semaphore, #tpu.memory_space<semaphore_mem>>)
    %dma_start3A_605 = arith.constant 3 : i32
    %dma_start3A_606 = arith.constant 0 : i32
    %dma_start3A_607 = arith.constant 0 : i32
    %dma_start3A_608 = arith.constant 0 : i32
    %dma_start3A_609 = tpu.memref_slice %arg9[%dma_start3A_606, %dma_start3A_607, %dma_start3A_608] : memref<2x8x768xf32, #tpu.memory_space<vmem>> -> memref<1x8x768xf32, #tpu.memory_space<vmem>>
    %dma_start3A_610 = tpu.memref_squeeze %dma_start3A_609 : memref<1x8x768xf32, #tpu.memory_space<vmem>> -> memref<8x768xf32, #tpu.memory_space<vmem>>
    %dma_start3A_611 = arith.constant 0 : i32
    %dma_start3A_612 = arith.constant 0 : i32
    %dma_start3A_613 = tpu.memref_slice %arg3[%dma_start3A_605, %dma_start3A_611, %dma_start3A_612] : memref<4x2048x768xf32, #tpu.memory_space<hbm>> -> memref<1x8x768xf32, #tpu.memory_space<hbm>>
    %dma_start3A_614 = tpu.memref_squeeze %dma_start3A_613 : memref<1x8x768xf32, #tpu.memory_space<hbm>> -> memref<8x768xf32, #tpu.memory_space<hbm>>
    tpu.enqueue_dma source(%dma_start3A_614 : memref<8x768xf32, #tpu.memory_space<hbm>>) target(%dma_start3A_610 : memref<8x768xf32, #tpu.memory_space<vmem>>) target_semaphore(%arg11 : memref<!tpu.dma_semaphore, #tpu.memory_space<semaphore_mem>>)
    %dma_start3A_615 = arith.constant 3 : i32
    %dma_start3A_616 = arith.constant 1 : i32
    %dma_start3A_617 = arith.constant 0 : i32
    %dma_start3A_618 = arith.constant 0 : i32
    %dma_start3A_619 = tpu.memref_slice %arg9[%dma_start3A_616, %dma_start3A_617, %dma_start3A_618] : memref<2x8x768xf32, #tpu.memory_space<vmem>> -> memref<1x8x768xf32, #tpu.memory_space<vmem>>
    %dma_start3A_620 = tpu.memref_squeeze %dma_start3A_619 : memref<1x8x768xf32, #tpu.memory_space<vmem>> -> memref<8x768xf32, #tpu.memory_space<vmem>>
    %dma_start3A_621 = arith.constant 2040 : i32
    %dma_start3A_622 = arith.constant 0 : i32
    %dma_start3A_623 = tpu.memref_slice %arg3[%dma_start3A_615, %dma_start3A_621, %dma_start3A_622] : memref<4x2048x768xf32, #tpu.memory_space<hbm>> -> memref<1x8x768xf32, #tpu.memory_space<hbm>>
    %dma_start3A_624 = tpu.memref_squeeze %dma_start3A_623 : memref<1x8x768xf32, #tpu.memory_space<hbm>> -> memref<8x768xf32, #tpu.memory_space<hbm>>
    tpu.enqueue_dma source(%dma_start3A_624 : memref<8x768xf32, #tpu.memory_space<hbm>>) target(%dma_start3A_620 : memref<8x768xf32, #tpu.memory_space<vmem>>) target_semaphore(%arg11 : memref<!tpu.dma_semaphore, #tpu.memory_space<semaphore_mem>>)
    %dma_wait3A_625 = arith.constant 3 : i32
    %dma_wait3A_626 = arith.constant 0 : i32
    %dma_wait3A_627 = arith.constant 0 : i32
    %dma_wait3A_628 = arith.constant 0 : i32
    %dma_wait3A_629 = tpu.memref_slice %arg9[%dma_wait3A_626, %dma_wait3A_627, %dma_wait3A_628] : memref<2x8x768xf32, #tpu.memory_space<vmem>> -> memref<1x8x768xf32, #tpu.memory_space<vmem>>
    %dma_wait3A_630 = tpu.memref_squeeze %dma_wait3A_629 : memref<1x8x768xf32, #tpu.memory_space<vmem>> -> memref<8x768xf32, #tpu.memory_space<vmem>>
    %dma_wait3A_631 = arith.constant 0 : i32
    %dma_wait3A_632 = arith.constant 0 : i32
    %dma_wait3A_633 = tpu.memref_slice %arg3[%dma_wait3A_625, %dma_wait3A_631, %dma_wait3A_632] : memref<4x2048x768xf32, #tpu.memory_space<hbm>> -> memref<1x8x768xf32, #tpu.memory_space<hbm>>
    %dma_wait3A_634 = tpu.memref_squeeze %dma_wait3A_633 : memref<1x8x768xf32, #tpu.memory_space<hbm>> -> memref<8x768xf32, #tpu.memory_space<hbm>>
    tpu.wait_dma2 semaphore(%arg11 : memref<!tpu.dma_semaphore, #tpu.memory_space<semaphore_mem>>) src(%dma_wait3A_634 : memref<8x768xf32, #tpu.memory_space<hbm>>) dst(%dma_wait3A_630 : memref<8x768xf32, #tpu.memory_space<vmem>>)
    %dma_wait3A_635 = arith.constant 3 : i32
    %dma_wait3A_636 = arith.constant 1 : i32
    %dma_wait3A_637 = arith.constant 0 : i32
    %dma_wait3A_638 = arith.constant 0 : i32
    %dma_wait3A_639 = tpu.memref_slice %arg9[%dma_wait3A_636, %dma_wait3A_637, %dma_wait3A_638] : memref<2x8x768xf32, #tpu.memory_space<vmem>> -> memref<1x8x768xf32, #tpu.memory_space<vmem>>
    %dma_wait3A_640 = tpu.memref_squeeze %dma_wait3A_639 : memref<1x8x768xf32, #tpu.memory_space<vmem>> -> memref<8x768xf32, #tpu.memory_space<vmem>>
    %dma_wait3A_641 = arith.constant 2040 : i32
    %dma_wait3A_642 = arith.constant 0 : i32
    %dma_wait3A_643 = tpu.memref_slice %arg3[%dma_wait3A_635, %dma_wait3A_641, %dma_wait3A_642] : memref<4x2048x768xf32, #tpu.memory_space<hbm>> -> memref<1x8x768xf32, #tpu.memory_space<hbm>>
    %dma_wait3A_644 = tpu.memref_squeeze %dma_wait3A_643 : memref<1x8x768xf32, #tpu.memory_space<hbm>> -> memref<8x768xf32, #tpu.memory_space<hbm>>
    tpu.wait_dma2 semaphore(%arg11 : memref<!tpu.dma_semaphore, #tpu.memory_space<semaphore_mem>>) src(%dma_wait3A_644 : memref<8x768xf32, #tpu.memory_space<hbm>>) dst(%dma_wait3A_640 : memref<8x768xf32, #tpu.memory_space<vmem>>)
    %get3A_645 = arith.constant 0 : index
    %get3A_646 = arith.constant 0 : index
    %get3A_647 = arith.constant 0 : index
    %get3A_648 = vector.load %arg9[%get3A_645, %get3A_646, %get3A_647] : memref<2x8x768xf32, #tpu.memory_space<vmem>>, vector<1x8x768xf32>
    %get3A_649 = vector.shape_cast %get3A_648 : vector<1x8x768xf32> to vector<8x768xf32>
    %get3A_650 = arith.constant 1 : index
    %get3A_651 = arith.constant 0 : index
    %get3A_652 = arith.constant 0 : index
    %get3A_653 = vector.load %arg9[%get3A_650, %get3A_651, %get3A_652] : memref<2x8x768xf32, #tpu.memory_space<vmem>>, vector<1x8x768xf32>
    %get3A_654 = vector.shape_cast %get3A_653 : vector<1x8x768xf32> to vector<8x768xf32>
    %get3A_655 = arith.constant 0 : index
    %get3A_656 = arith.constant 0 : index
    %get3A_657 = vector.load %arg7[%get3A_655, %get3A_656] : memref<1x768xf32, #tpu.memory_space<vmem>>, vector<1x768xf32>
    %slice3A_658 = vector.extract_strided_slice %get3A_649 {offsets = [0, 0], sizes = [7, 768], strides = [1, 1]} : vector<8x768xf32> to vector<7x768xf32>
    %concatenate3A_659 = tpu.concatenate %get3A_657, %slice3A_658 in 0 : vector<1x768xf32>, vector<7x768xf32> -> vector<8x768xf32>
    %swap3A_660 = arith.constant 0 : index
    %swap3A_661 = arith.constant 0 : index
    %swap3A_662 = arith.constant 0 : index
    %swap3A_663 = vector.load %arg10[%swap3A_660, %swap3A_661, %swap3A_662] : memref<2x8x768xf32, #tpu.memory_space<vmem>>, vector<1x8x768xf32>
    %swap3A_664 = vector.shape_cast %swap3A_663 : vector<1x8x768xf32> to vector<8x768xf32>
    %swap3A_665 = vector.shape_cast %concatenate3A_659 : vector<8x768xf32> to vector<1x8x768xf32>
    tpu.vector_store %arg10[%swap3A_660, %swap3A_661, %swap3A_662], %swap3A_665 {strides = array<i32>} : memref<2x8x768xf32, #tpu.memory_space<vmem>>, vector<1x8x768xf32>,
    %slice3A_666 = vector.extract_strided_slice %get3A_654 {offsets = [7, 0], sizes = [1, 768], strides = [1, 1]} : vector<8x768xf32> to vector<1x768xf32>
    %slice3A_667 = vector.extract_strided_slice %get3A_654 {offsets = [0, 0], sizes = [7, 768], strides = [1, 1]} : vector<8x768xf32> to vector<7x768xf32>
    %concatenate3A_668 = tpu.concatenate %slice3A_666, %slice3A_667 in 0 : vector<1x768xf32>, vector<7x768xf32> -> vector<8x768xf32>
    %swap3A_669 = arith.constant 1 : index
    %swap3A_670 = arith.constant 0 : index
    %swap3A_671 = arith.constant 0 : index
    %swap3A_672 = vector.load %arg10[%swap3A_669, %swap3A_670, %swap3A_671] : memref<2x8x768xf32, #tpu.memory_space<vmem>>, vector<1x8x768xf32>
    %swap3A_673 = vector.shape_cast %swap3A_672 : vector<1x8x768xf32> to vector<8x768xf32>
    %swap3A_674 = vector.shape_cast %concatenate3A_668 : vector<8x768xf32> to vector<1x8x768xf32>
    tpu.vector_store %arg10[%swap3A_669, %swap3A_670, %swap3A_671], %swap3A_674 {strides = array<i32>} : memref<2x8x768xf32, #tpu.memory_space<vmem>>, vector<1x8x768xf32>,
    %dma_start3A_675 = arith.constant 0 : i32
    %dma_start3A_676 = arith.constant 3 : i32
    %dma_start3A_677 = arith.constant 48 : i32
    %dma_start3A_678 = arith.constant 0 : i32
    %dma_start3A_679 = tpu.memref_slice %arg8[%dma_start3A_676, %dma_start3A_677, %dma_start3A_678] : memref<4x2097x768xf32, #tpu.memory_space<hbm>> -> memref<1x8x768xf32, #tpu.memory_space<hbm>>
    %dma_start3A_680 = tpu.memref_squeeze %dma_start3A_679 : memref<1x8x768xf32, #tpu.memory_space<hbm>> -> memref<8x768xf32, #tpu.memory_space<hbm>>
    %dma_start3A_681 = arith.constant 0 : i32
    %dma_start3A_682 = arith.constant 0 : i32
    %dma_start3A_683 = tpu.memref_slice %arg10[%dma_start3A_675, %dma_start3A_681, %dma_start3A_682] : memref<2x8x768xf32, #tpu.memory_space<vmem>> -> memref<1x8x768xf32, #tpu.memory_space<vmem>>
    %dma_start3A_684 = tpu.memref_squeeze %dma_start3A_683 : memref<1x8x768xf32, #tpu.memory_space<vmem>> -> memref<8x768xf32, #tpu.memory_space<vmem>>
    tpu.enqueue_dma source(%dma_start3A_684 : memref<8x768xf32, #tpu.memory_space<vmem>>) target(%dma_start3A_680 : memref<8x768xf32, #tpu.memory_space<hbm>>) target_semaphore(%arg12 : memref<!tpu.dma_semaphore, #tpu.memory_space<semaphore_mem>>)
    %dma_start3A_685 = arith.constant 1 : i32
    %dma_start3A_686 = arith.constant 3 : i32
    %dma_start3A_687 = arith.constant 2096 : i32
    %dma_start3A_688 = arith.constant 0 : i32
    %dma_start3A_689 = tpu.memref_slice %arg8[%dma_start3A_686, %dma_start3A_687, %dma_start3A_688] : memref<4x2097x768xf32, #tpu.memory_space<hbm>> -> memref<1x1x768xf32, #tpu.memory_space<hbm>>
    %dma_start3A_690 = tpu.memref_squeeze %dma_start3A_689 : memref<1x1x768xf32, #tpu.memory_space<hbm>> -> memref<1x768xf32, #tpu.memory_space<hbm>>
    %dma_start3A_691 = arith.constant 0 : i32
    %dma_start3A_692 = arith.constant 0 : i32
    %dma_start3A_693 = tpu.memref_slice %arg10[%dma_start3A_685, %dma_start3A_691, %dma_start3A_692] : memref<2x8x768xf32, #tpu.memory_space<vmem>> -> memref<1x1x768xf32, #tpu.memory_space<vmem>>
    %dma_start3A_694 = tpu.memref_squeeze %dma_start3A_693 : memref<1x1x768xf32, #tpu.memory_space<vmem>> -> memref<1x768xf32, #tpu.memory_space<vmem>>
    tpu.enqueue_dma source(%dma_start3A_694 : memref<1x768xf32, #tpu.memory_space<vmem>>) target(%dma_start3A_690 : memref<1x768xf32, #tpu.memory_space<hbm>>) target_semaphore(%arg12 : memref<!tpu.dma_semaphore, #tpu.memory_space<semaphore_mem>>)
    %get3A_695 = arith.constant 3 : index
    %get3A_696 = arith.constant 0 : index
    %get3A_697 = arith.constant 0 : index
    %get3A_698 = vector.load %arg2[%get3A_695, %get3A_696, %get3A_697] : memref<4x1x768xf32, #tpu.memory_space<vmem>>, vector<1x1x768xf32>
    %get3A_699 = vector.shape_cast %get3A_698 : vector<1x1x768xf32> to vector<1x768xf32>
    %mul3A_700 = arith.mulf %get3A_699, %get3A_699 : vector<1x768xf32>
    %reduce_sum3A_701 = vector.shape_cast %mul3A_700 : vector<1x768xf32> to vector<1x1x768xf32>
    %reduce_sum3A_702 = arith.constant dense<0.000000e+00> : vector<1xf32>
    %reduce_sum3A_703 = vector.multi_reduction <add>, %reduce_sum3A_701, %reduce_sum3A_702 [1, 2] : vector<1x1x768xf32> to vector<1xf32>
    %reduce_sum3A_704 = vector.shape_cast %reduce_sum3A_703 : vector<1xf32> to vector<1x1x1xf32>
    %reduce_sum3A_705 = vector.extract %reduce_sum3A_704[0, 0, 0] : f32 from vector<1x1x1xf32>
    %sqrt3A_706 = math.sqrt %reduce_sum3A_705 : f32
    %max3A_707 = arith.constant 9.99999996E-13 : f32
    %max3A_708 = arith.maximumf %sqrt3A_706, %max3A_707 : f32
    %div3A_709 = vector.broadcast %max3A_708 : f32 to vector<1x768xf32>
    %div3A_710 = arith.divf %get3A_699, %div3A_709 : vector<1x768xf32>
    %dot_general3A_711 = arith.constant dense<0.000000e+00> : vector<1x100xf32>
    %dot_general3A_712 = tpu.matmul %div3A_710, %div3A_5, %dot_general3A_711 {dimension_numbers = #tpu.dot_dimension_numbers<[1], [1], [0], [0], [0, 0, 1, 0], [], []>, transpose_lhs_hint = false} : vector<1x768xf32>, vector<100x768xf32>, vector<1x100xf32> -> vector<1x100xf32>
    %mul3A_713 = arith.constant 8 : i32
    %mul3A_714 = arith.muli %get3A_7, %mul3A_713 : i32
    %dma_start3A_715 = arith.constant 3 : i32
    %dma_start3A_716 = arith.constant 0 : i32
    %dma_start3A_717 = arith.constant 0 : i32
    %dma_start3A_718 = tpu.memref_slice %arg8[%dma_start3A_715, %dma_start3A_716, %dma_start3A_717] : memref<4x2097x768xf32, #tpu.memory_space<hbm>> -> memref<1x8x768xf32, #tpu.memory_space<hbm>>
    %dma_start3A_719 = tpu.memref_squeeze %dma_start3A_718 : memref<1x8x768xf32, #tpu.memory_space<hbm>> -> memref<8x768xf32, #tpu.memory_space<hbm>>
    %dma_start3A_720 = arith.constant 0 : i32
    %dma_start3A_721 = tpu.memref_slice %arg4[%mul3A_714, %dma_start3A_720] : memref<80x768xf32, #tpu.memory_space<hbm>> -> memref<8x768xf32, #tpu.memory_space<hbm>>
    tpu.enqueue_dma source(%dma_start3A_721 : memref<8x768xf32, #tpu.memory_space<hbm>>) target(%dma_start3A_719 : memref<8x768xf32, #tpu.memory_space<hbm>>) target_semaphore(%arg12 : memref<!tpu.dma_semaphore, #tpu.memory_space<semaphore_mem>>)
    %iota3A_722 = tpu.iota {dimensions = array<i32: 1>} : vector<1x100xi32>
    %squeeze3A_723 = vector.shape_cast %dot_general3A_712 : vector<1x100xf32> to vector<100xf32>
    %argmax3A_724 = vector.shape_cast %squeeze3A_723 : vector<100xf32> to vector<1x100xf32>
    %argmax3A_725 = tpu.reduce_index %argmax3A_724 {axis = 1 : i32, kind = #tpu.reduction_kind<arg_max>} : vector<1x100xf32> -> vector<1xi32>
    %argmax3A_726 = vector.extract %argmax3A_725[0] : i32 from vector<1xi32>
    %mul3A_727 = arith.constant 8 : i32
    %mul3A_728 = arith.muli %argmax3A_726, %mul3A_727 : i32
    %dma_start3A_729 = arith.constant 3 : i32
    %dma_start3A_730 = arith.constant 8 : i32
    %dma_start3A_731 = arith.constant 0 : i32
    %dma_start3A_732 = tpu.memref_slice %arg8[%dma_start3A_729, %dma_start3A_730, %dma_start3A_731] : memref<4x2097x768xf32, #tpu.memory_space<hbm>> -> memref<1x8x768xf32, #tpu.memory_space<hbm>>
    %dma_start3A_733 = tpu.memref_squeeze %dma_start3A_732 : memref<1x8x768xf32, #tpu.memory_space<hbm>> -> memref<8x768xf32, #tpu.memory_space<hbm>>
    %dma_start3A_734 = arith.constant 0 : i32
    %dma_start3A_735 = tpu.memref_slice %arg5[%mul3A_728, %dma_start3A_734] : memref<800x768xf32, #tpu.memory_space<hbm>> -> memref<8x768xf32, #tpu.memory_space<hbm>>
    tpu.enqueue_dma source(%dma_start3A_735 : memref<8x768xf32, #tpu.memory_space<hbm>>) target(%dma_start3A_733 : memref<8x768xf32, #tpu.memory_space<hbm>>) target_semaphore(%arg12 : memref<!tpu.dma_semaphore, #tpu.memory_space<semaphore_mem>>)
    %eq3A_736 = vector.broadcast %argmax3A_726 : i32 to vector<1x100xi32>
    %eq3A_737 = arith.cmpi eq, %iota3A_722, %eq3A_736 : vector<1x100xi32>
    %jit3A_738 = arith.constant 0xFF800000 : f32
    %broadcast_in_dim3A_739 = vector.broadcast %jit3A_738 : f32 to vector<1x100xf32>
    %select_n3A_740 = arith.select %eq3A_737, %broadcast_in_dim3A_739, %dot_general3A_712 : vector<1x100xi1>, vector<1x100xf32>
    %squeeze3A_741 = vector.shape_cast %select_n3A_740 : vector<1x100xf32> to vector<100xf32>
    %argmax3A_742 = vector.shape_cast %squeeze3A_741 : vector<100xf32> to vector<1x100xf32>
    %argmax3A_743 = tpu.reduce_index %argmax3A_742 {axis = 1 : i32, kind = #tpu.reduction_kind<arg_max>} : vector<1x100xf32> -> vector<1xi32>
    %argmax3A_744 = vector.extract %argmax3A_743[0] : i32 from vector<1xi32>
    %mul3A_745 = arith.constant 8 : i32
    %mul3A_746 = arith.muli %argmax3A_744, %mul3A_745 : i32
    %dma_start3A_747 = arith.constant 3 : i32
    %dma_start3A_748 = arith.constant 16 : i32
    %dma_start3A_749 = arith.constant 0 : i32
    %dma_start3A_750 = tpu.memref_slice %arg8[%dma_start3A_747, %dma_start3A_748, %dma_start3A_749] : memref<4x2097x768xf32, #tpu.memory_space<hbm>> -> memref<1x8x768xf32, #tpu.memory_space<hbm>>
    %dma_start3A_751 = tpu.memref_squeeze %dma_start3A_750 : memref<1x8x768xf32, #tpu.memory_space<hbm>> -> memref<8x768xf32, #tpu.memory_space<hbm>>
    %dma_start3A_752 = arith.constant 0 : i32
    %dma_start3A_753 = tpu.memref_slice %arg5[%mul3A_746, %dma_start3A_752] : memref<800x768xf32, #tpu.memory_space<hbm>> -> memref<8x768xf32, #tpu.memory_space<hbm>>
    tpu.enqueue_dma source(%dma_start3A_753 : memref<8x768xf32, #tpu.memory_space<hbm>>) target(%dma_start3A_751 : memref<8x768xf32, #tpu.memory_space<hbm>>) target_semaphore(%arg12 : memref<!tpu.dma_semaphore, #tpu.memory_space<semaphore_mem>>)
    %eq3A_754 = vector.broadcast %argmax3A_744 : i32 to vector<1x100xi32>
    %eq3A_755 = arith.cmpi eq, %iota3A_722, %eq3A_754 : vector<1x100xi32>
    %jit3A_756 = arith.constant 0xFF800000 : f32
    %broadcast_in_dim3A_757 = vector.broadcast %jit3A_756 : f32 to vector<1x100xf32>
    %select_n3A_758 = arith.select %eq3A_755, %broadcast_in_dim3A_757, %select_n3A_740 : vector<1x100xi1>, vector<1x100xf32>
    %squeeze3A_759 = vector.shape_cast %select_n3A_758 : vector<1x100xf32> to vector<100xf32>
    %argmax3A_760 = vector.shape_cast %squeeze3A_759 : vector<100xf32> to vector<1x100xf32>
    %argmax3A_761 = tpu.reduce_index %argmax3A_760 {axis = 1 : i32, kind = #tpu.reduction_kind<arg_max>} : vector<1x100xf32> -> vector<1xi32>
    %argmax3A_762 = vector.extract %argmax3A_761[0] : i32 from vector<1xi32>
    %mul3A_763 = arith.constant 8 : i32
    %mul3A_764 = arith.muli %argmax3A_762, %mul3A_763 : i32
    %dma_start3A_765 = arith.constant 3 : i32
    %dma_start3A_766 = arith.constant 24 : i32
    %dma_start3A_767 = arith.constant 0 : i32
    %dma_start3A_768 = tpu.memref_slice %arg8[%dma_start3A_765, %dma_start3A_766, %dma_start3A_767] : memref<4x2097x768xf32, #tpu.memory_space<hbm>> -> memref<1x8x768xf32, #tpu.memory_space<hbm>>
    %dma_start3A_769 = tpu.memref_squeeze %dma_start3A_768 : memref<1x8x768xf32, #tpu.memory_space<hbm>> -> memref<8x768xf32, #tpu.memory_space<hbm>>
    %dma_start3A_770 = arith.constant 0 : i32
    %dma_start3A_771 = tpu.memref_slice %arg5[%mul3A_764, %dma_start3A_770] : memref<800x768xf32, #tpu.memory_space<hbm>> -> memref<8x768xf32, #tpu.memory_space<hbm>>
    tpu.enqueue_dma source(%dma_start3A_771 : memref<8x768xf32, #tpu.memory_space<hbm>>) target(%dma_start3A_769 : memref<8x768xf32, #tpu.memory_space<hbm>>) target_semaphore(%arg12 : memref<!tpu.dma_semaphore, #tpu.memory_space<semaphore_mem>>)
    %eq3A_772 = vector.broadcast %argmax3A_762 : i32 to vector<1x100xi32>
    %eq3A_773 = arith.cmpi eq, %iota3A_722, %eq3A_772 : vector<1x100xi32>
    %jit3A_774 = arith.constant 0xFF800000 : f32
    %broadcast_in_dim3A_775 = vector.broadcast %jit3A_774 : f32 to vector<1x100xf32>
    %select_n3A_776 = arith.select %eq3A_773, %broadcast_in_dim3A_775, %select_n3A_758 : vector<1x100xi1>, vector<1x100xf32>
    %squeeze3A_777 = vector.shape_cast %select_n3A_776 : vector<1x100xf32> to vector<100xf32>
    %argmax3A_778 = vector.shape_cast %squeeze3A_777 : vector<100xf32> to vector<1x100xf32>
    %argmax3A_779 = tpu.reduce_index %argmax3A_778 {axis = 1 : i32, kind = #tpu.reduction_kind<arg_max>} : vector<1x100xf32> -> vector<1xi32>
    %argmax3A_780 = vector.extract %argmax3A_779[0] : i32 from vector<1xi32>
    %mul3A_781 = arith.constant 8 : i32
    %mul3A_782 = arith.muli %argmax3A_780, %mul3A_781 : i32
    %dma_start3A_783 = arith.constant 3 : i32
    %dma_start3A_784 = arith.constant 32 : i32
    %dma_start3A_785 = arith.constant 0 : i32
    %dma_start3A_786 = tpu.memref_slice %arg8[%dma_start3A_783, %dma_start3A_784, %dma_start3A_785] : memref<4x2097x768xf32, #tpu.memory_space<hbm>> -> memref<1x8x768xf32, #tpu.memory_space<hbm>>
    %dma_start3A_787 = tpu.memref_squeeze %dma_start3A_786 : memref<1x8x768xf32, #tpu.memory_space<hbm>> -> memref<8x768xf32, #tpu.memory_space<hbm>>
    %dma_start3A_788 = arith.constant 0 : i32
    %dma_start3A_789 = tpu.memref_slice %arg5[%mul3A_782, %dma_start3A_788] : memref<800x768xf32, #tpu.memory_space<hbm>> -> memref<8x768xf32, #tpu.memory_space<hbm>>
    tpu.enqueue_dma source(%dma_start3A_789 : memref<8x768xf32, #tpu.memory_space<hbm>>) target(%dma_start3A_787 : memref<8x768xf32, #tpu.memory_space<hbm>>) target_semaphore(%arg12 : memref<!tpu.dma_semaphore, #tpu.memory_space<semaphore_mem>>)
    %eq3A_790 = vector.broadcast %argmax3A_780 : i32 to vector<1x100xi32>
    %eq3A_791 = arith.cmpi eq, %iota3A_722, %eq3A_790 : vector<1x100xi32>
    %jit3A_792 = arith.constant 0xFF800000 : f32
    %broadcast_in_dim3A_793 = vector.broadcast %jit3A_792 : f32 to vector<1x100xf32>
    %select_n3A_794 = arith.select %eq3A_791, %broadcast_in_dim3A_793, %select_n3A_776 : vector<1x100xi1>, vector<1x100xf32>
    %squeeze3A_795 = vector.shape_cast %select_n3A_794 : vector<1x100xf32> to vector<100xf32>
    %argmax3A_796 = vector.shape_cast %squeeze3A_795 : vector<100xf32> to vector<1x100xf32>
    %argmax3A_797 = tpu.reduce_index %argmax3A_796 {axis = 1 : i32, kind = #tpu.reduction_kind<arg_max>} : vector<1x100xf32> -> vector<1xi32>
    %argmax3A_798 = vector.extract %argmax3A_797[0] : i32 from vector<1xi32>
    %mul3A_799 = arith.constant 8 : i32
    %mul3A_800 = arith.muli %argmax3A_798, %mul3A_799 : i32
    %dma_start3A_801 = arith.constant 3 : i32
    %dma_start3A_802 = arith.constant 40 : i32
    %dma_start3A_803 = arith.constant 0 : i32
    %dma_start3A_804 = tpu.memref_slice %arg8[%dma_start3A_801, %dma_start3A_802, %dma_start3A_803] : memref<4x2097x768xf32, #tpu.memory_space<hbm>> -> memref<1x8x768xf32, #tpu.memory_space<hbm>>
    %dma_start3A_805 = tpu.memref_squeeze %dma_start3A_804 : memref<1x8x768xf32, #tpu.memory_space<hbm>> -> memref<8x768xf32, #tpu.memory_space<hbm>>
    %dma_start3A_806 = arith.constant 0 : i32
    %dma_start3A_807 = tpu.memref_slice %arg5[%mul3A_800, %dma_start3A_806] : memref<800x768xf32, #tpu.memory_space<hbm>> -> memref<8x768xf32, #tpu.memory_space<hbm>>
    tpu.enqueue_dma source(%dma_start3A_807 : memref<8x768xf32, #tpu.memory_space<hbm>>) target(%dma_start3A_805 : memref<8x768xf32, #tpu.memory_space<hbm>>) target_semaphore(%arg12 : memref<!tpu.dma_semaphore, #tpu.memory_space<semaphore_mem>>)
    %dma_wait3A_808 = arith.constant 0 : i32
    %dma_wait3A_809 = arith.constant 0 : i32
    %dma_wait3A_810 = arith.constant 48 : i32
    %dma_wait3A_811 = arith.constant 0 : i32
    %dma_wait3A_812 = tpu.memref_slice %arg8[%dma_wait3A_809, %dma_wait3A_810, %dma_wait3A_811] : memref<4x2097x768xf32, #tpu.memory_space<hbm>> -> memref<1x8x768xf32, #tpu.memory_space<hbm>>
    %dma_wait3A_813 = tpu.memref_squeeze %dma_wait3A_812 : memref<1x8x768xf32, #tpu.memory_space<hbm>> -> memref<8x768xf32, #tpu.memory_space<hbm>>
    %dma_wait3A_814 = arith.constant 0 : i32
    %dma_wait3A_815 = arith.constant 0 : i32
    %dma_wait3A_816 = tpu.memref_slice %arg10[%dma_wait3A_808, %dma_wait3A_814, %dma_wait3A_815] : memref<2x8x768xf32, #tpu.memory_space<vmem>> -> memref<1x8x768xf32, #tpu.memory_space<vmem>>
    %dma_wait3A_817 = tpu.memref_squeeze %dma_wait3A_816 : memref<1x8x768xf32, #tpu.memory_space<vmem>> -> memref<8x768xf32, #tpu.memory_space<vmem>>
    tpu.wait_dma2 semaphore(%arg12 : memref<!tpu.dma_semaphore, #tpu.memory_space<semaphore_mem>>) src(%dma_wait3A_817 : memref<8x768xf32, #tpu.memory_space<vmem>>) dst(%dma_wait3A_813 : memref<8x768xf32, #tpu.memory_space<hbm>>)
    %dma_wait3A_818 = arith.constant 1 : i32
    %dma_wait3A_819 = arith.constant 0 : i32
    %dma_wait3A_820 = arith.constant 2096 : i32
    %dma_wait3A_821 = arith.constant 0 : i32
    %dma_wait3A_822 = tpu.memref_slice %arg8[%dma_wait3A_819, %dma_wait3A_820, %dma_wait3A_821] : memref<4x2097x768xf32, #tpu.memory_space<hbm>> -> memref<1x1x768xf32, #tpu.memory_space<hbm>>
    %dma_wait3A_823 = tpu.memref_squeeze %dma_wait3A_822 : memref<1x1x768xf32, #tpu.memory_space<hbm>> -> memref<1x768xf32, #tpu.memory_space<hbm>>
    %dma_wait3A_824 = arith.constant 0 : i32
    %dma_wait3A_825 = arith.constant 0 : i32
    %dma_wait3A_826 = tpu.memref_slice %arg10[%dma_wait3A_818, %dma_wait3A_824, %dma_wait3A_825] : memref<2x8x768xf32, #tpu.memory_space<vmem>> -> memref<1x1x768xf32, #tpu.memory_space<vmem>>
    %dma_wait3A_827 = tpu.memref_squeeze %dma_wait3A_826 : memref<1x1x768xf32, #tpu.memory_space<vmem>> -> memref<1x768xf32, #tpu.memory_space<vmem>>
    tpu.wait_dma2 semaphore(%arg12 : memref<!tpu.dma_semaphore, #tpu.memory_space<semaphore_mem>>) src(%dma_wait3A_827 : memref<1x768xf32, #tpu.memory_space<vmem>>) dst(%dma_wait3A_823 : memref<1x768xf32, #tpu.memory_space<hbm>>)
    %dma_wait3A_828 = arith.constant 0 : i32
    %dma_wait3A_829 = arith.constant 0 : i32
    %dma_wait3A_830 = arith.constant 0 : i32
    %dma_wait3A_831 = tpu.memref_slice %arg8[%dma_wait3A_828, %dma_wait3A_829, %dma_wait3A_830] : memref<4x2097x768xf32, #tpu.memory_space<hbm>> -> memref<1x8x768xf32, #tpu.memory_space<hbm>>
    %dma_wait3A_832 = tpu.memref_squeeze %dma_wait3A_831 : memref<1x8x768xf32, #tpu.memory_space<hbm>> -> memref<8x768xf32, #tpu.memory_space<hbm>>
    %dma_wait3A_833 = arith.constant 0 : i32
    %dma_wait3A_834 = tpu.memref_slice %arg4[%mul3A_111, %dma_wait3A_833] : memref<80x768xf32, #tpu.memory_space<hbm>> -> memref<8x768xf32, #tpu.memory_space<hbm>>
    tpu.wait_dma2 semaphore(%arg12 : memref<!tpu.dma_semaphore, #tpu.memory_space<semaphore_mem>>) src(%dma_wait3A_834 : memref<8x768xf32, #tpu.memory_space<hbm>>) dst(%dma_wait3A_832 : memref<8x768xf32, #tpu.memory_space<hbm>>)
    %dma_wait3A_835 = arith.constant 0 : i32
    %dma_wait3A_836 = arith.constant 8 : i32
    %dma_wait3A_837 = arith.constant 0 : i32
    %dma_wait3A_838 = tpu.memref_slice %arg8[%dma_wait3A_835, %dma_wait3A_836, %dma_wait3A_837] : memref<4x2097x768xf32, #tpu.memory_space<hbm>> -> memref<1x8x768xf32, #tpu.memory_space<hbm>>
    %dma_wait3A_839 = tpu.memref_squeeze %dma_wait3A_838 : memref<1x8x768xf32, #tpu.memory_space<hbm>> -> memref<8x768xf32, #tpu.memory_space<hbm>>
    %dma_wait3A_840 = arith.constant 0 : i32
    %dma_wait3A_841 = tpu.memref_slice %arg5[%mul3A_122, %dma_wait3A_840] : memref<800x768xf32, #tpu.memory_space<hbm>> -> memref<8x768xf32, #tpu.memory_space<hbm>>
    tpu.wait_dma2 semaphore(%arg12 : memref<!tpu.dma_semaphore, #tpu.memory_space<semaphore_mem>>) src(%dma_wait3A_841 : memref<8x768xf32, #tpu.memory_space<hbm>>) dst(%dma_wait3A_839 : memref<8x768xf32, #tpu.memory_space<hbm>>)
    %dma_wait3A_842 = arith.constant 0 : i32
    %dma_wait3A_843 = arith.constant 16 : i32
    %dma_wait3A_844 = arith.constant 0 : i32
    %dma_wait3A_845 = tpu.memref_slice %arg8[%dma_wait3A_842, %dma_wait3A_843, %dma_wait3A_844] : memref<4x2097x768xf32, #tpu.memory_space<hbm>> -> memref<1x8x768xf32, #tpu.memory_space<hbm>>
    %dma_wait3A_846 = tpu.memref_squeeze %dma_wait3A_845 : memref<1x8x768xf32, #tpu.memory_space<hbm>> -> memref<8x768xf32, #tpu.memory_space<hbm>>
    %dma_wait3A_847 = arith.constant 0 : i32
    %dma_wait3A_848 = tpu.memref_slice %arg5[%mul3A_137, %dma_wait3A_847] : memref<800x768xf32, #tpu.memory_space<hbm>> -> memref<8x768xf32, #tpu.memory_space<hbm>>
    tpu.wait_dma2 semaphore(%arg12 : memref<!tpu.dma_semaphore, #tpu.memory_space<semaphore_mem>>) src(%dma_wait3A_848 : memref<8x768xf32, #tpu.memory_space<hbm>>) dst(%dma_wait3A_846 : memref<8x768xf32, #tpu.memory_space<hbm>>)
    %dma_wait3A_849 = arith.constant 0 : i32
    %dma_wait3A_850 = arith.constant 24 : i32
    %dma_wait3A_851 = arith.constant 0 : i32
    %dma_wait3A_852 = tpu.memref_slice %arg8[%dma_wait3A_849, %dma_wait3A_850, %dma_wait3A_851] : memref<4x2097x768xf32, #tpu.memory_space<hbm>> -> memref<1x8x768xf32, #tpu.memory_space<hbm>>
    %dma_wait3A_853 = tpu.memref_squeeze %dma_wait3A_852 : memref<1x8x768xf32, #tpu.memory_space<hbm>> -> memref<8x768xf32, #tpu.memory_space<hbm>>
    %dma_wait3A_854 = arith.constant 0 : i32
    %dma_wait3A_855 = tpu.memref_slice %arg5[%mul3A_155, %dma_wait3A_854] : memref<800x768xf32, #tpu.memory_space<hbm>> -> memref<8x768xf32, #tpu.memory_space<hbm>>
    tpu.wait_dma2 semaphore(%arg12 : memref<!tpu.dma_semaphore, #tpu.memory_space<semaphore_mem>>) src(%dma_wait3A_855 : memref<8x768xf32, #tpu.memory_space<hbm>>) dst(%dma_wait3A_853 : memref<8x768xf32, #tpu.memory_space<hbm>>)
    %dma_wait3A_856 = arith.constant 0 : i32
    %dma_wait3A_857 = arith.constant 32 : i32
    %dma_wait3A_858 = arith.constant 0 : i32
    %dma_wait3A_859 = tpu.memref_slice %arg8[%dma_wait3A_856, %dma_wait3A_857, %dma_wait3A_858] : memref<4x2097x768xf32, #tpu.memory_space<hbm>> -> memref<1x8x768xf32, #tpu.memory_space<hbm>>
    %dma_wait3A_860 = tpu.memref_squeeze %dma_wait3A_859 : memref<1x8x768xf32, #tpu.memory_space<hbm>> -> memref<8x768xf32, #tpu.memory_space<hbm>>
    %dma_wait3A_861 = arith.constant 0 : i32
    %dma_wait3A_862 = tpu.memref_slice %arg5[%mul3A_173, %dma_wait3A_861] : memref<800x768xf32, #tpu.memory_space<hbm>> -> memref<8x768xf32, #tpu.memory_space<hbm>>
    tpu.wait_dma2 semaphore(%arg12 : memref<!tpu.dma_semaphore, #tpu.memory_space<semaphore_mem>>) src(%dma_wait3A_862 : memref<8x768xf32, #tpu.memory_space<hbm>>) dst(%dma_wait3A_860 : memref<8x768xf32, #tpu.memory_space<hbm>>)
    %dma_wait3A_863 = arith.constant 0 : i32
    %dma_wait3A_864 = arith.constant 40 : i32
    %dma_wait3A_865 = arith.constant 0 : i32
    %dma_wait3A_866 = tpu.memref_slice %arg8[%dma_wait3A_863, %dma_wait3A_864, %dma_wait3A_865] : memref<4x2097x768xf32, #tpu.memory_space<hbm>> -> memref<1x8x768xf32, #tpu.memory_space<hbm>>
    %dma_wait3A_867 = tpu.memref_squeeze %dma_wait3A_866 : memref<1x8x768xf32, #tpu.memory_space<hbm>> -> memref<8x768xf32, #tpu.memory_space<hbm>>
    %dma_wait3A_868 = arith.constant 0 : i32
    %dma_wait3A_869 = tpu.memref_slice %arg5[%mul3A_191, %dma_wait3A_868] : memref<800x768xf32, #tpu.memory_space<hbm>> -> memref<8x768xf32, #tpu.memory_space<hbm>>
    tpu.wait_dma2 semaphore(%arg12 : memref<!tpu.dma_semaphore, #tpu.memory_space<semaphore_mem>>) src(%dma_wait3A_869 : memref<8x768xf32, #tpu.memory_space<hbm>>) dst(%dma_wait3A_867 : memref<8x768xf32, #tpu.memory_space<hbm>>)
    %dma_wait3A_870 = arith.constant 0 : i32
    %dma_wait3A_871 = arith.constant 1 : i32
    %dma_wait3A_872 = arith.constant 48 : i32
    %dma_wait3A_873 = arith.constant 0 : i32
    %dma_wait3A_874 = tpu.memref_slice %arg8[%dma_wait3A_871, %dma_wait3A_872, %dma_wait3A_873] : memref<4x2097x768xf32, #tpu.memory_space<hbm>> -> memref<1x8x768xf32, #tpu.memory_space<hbm>>
    %dma_wait3A_875 = tpu.memref_squeeze %dma_wait3A_874 : memref<1x8x768xf32, #tpu.memory_space<hbm>> -> memref<8x768xf32, #tpu.memory_space<hbm>>
    %dma_wait3A_876 = arith.constant 0 : i32
    %dma_wait3A_877 = arith.constant 0 : i32
    %dma_wait3A_878 = tpu.memref_slice %arg10[%dma_wait3A_870, %dma_wait3A_876, %dma_wait3A_877] : memref<2x8x768xf32, #tpu.memory_space<vmem>> -> memref<1x8x768xf32, #tpu.memory_space<vmem>>
    %dma_wait3A_879 = tpu.memref_squeeze %dma_wait3A_878 : memref<1x8x768xf32, #tpu.memory_space<vmem>> -> memref<8x768xf32, #tpu.memory_space<vmem>>
    tpu.wait_dma2 semaphore(%arg12 : memref<!tpu.dma_semaphore, #tpu.memory_space<semaphore_mem>>) src(%dma_wait3A_879 : memref<8x768xf32, #tpu.memory_space<vmem>>) dst(%dma_wait3A_875 : memref<8x768xf32, #tpu.memory_space<hbm>>)
    %dma_wait3A_880 = arith.constant 1 : i32
    %dma_wait3A_881 = arith.constant 1 : i32
    %dma_wait3A_882 = arith.constant 2096 : i32
    %dma_wait3A_883 = arith.constant 0 : i32
    %dma_wait3A_884 = tpu.memref_slice %arg8[%dma_wait3A_881, %dma_wait3A_882, %dma_wait3A_883] : memref<4x2097x768xf32, #tpu.memory_space<hbm>> -> memref<1x1x768xf32, #tpu.memory_space<hbm>>
    %dma_wait3A_885 = tpu.memref_squeeze %dma_wait3A_884 : memref<1x1x768xf32, #tpu.memory_space<hbm>> -> memref<1x768xf32, #tpu.memory_space<hbm>>
    %dma_wait3A_886 = arith.constant 0 : i32
    %dma_wait3A_887 = arith.constant 0 : i32
    %dma_wait3A_888 = tpu.memref_slice %arg10[%dma_wait3A_880, %dma_wait3A_886, %dma_wait3A_887] : memref<2x8x768xf32, #tpu.memory_space<vmem>> -> memref<1x1x768xf32, #tpu.memory_space<vmem>>
    %dma_wait3A_889 = tpu.memref_squeeze %dma_wait3A_888 : memref<1x1x768xf32, #tpu.memory_space<vmem>> -> memref<1x768xf32, #tpu.memory_space<vmem>>
    tpu.wait_dma2 semaphore(%arg12 : memref<!tpu.dma_semaphore, #tpu.memory_space<semaphore_mem>>) src(%dma_wait3A_889 : memref<1x768xf32, #tpu.memory_space<vmem>>) dst(%dma_wait3A_885 : memref<1x768xf32, #tpu.memory_space<hbm>>)
    %dma_wait3A_890 = arith.constant 1 : i32
    %dma_wait3A_891 = arith.constant 0 : i32
    %dma_wait3A_892 = arith.constant 0 : i32
    %dma_wait3A_893 = tpu.memref_slice %arg8[%dma_wait3A_890, %dma_wait3A_891, %dma_wait3A_892] : memref<4x2097x768xf32, #tpu.memory_space<hbm>> -> memref<1x8x768xf32, #tpu.memory_space<hbm>>
    %dma_wait3A_894 = tpu.memref_squeeze %dma_wait3A_893 : memref<1x8x768xf32, #tpu.memory_space<hbm>> -> memref<8x768xf32, #tpu.memory_space<hbm>>
    %dma_wait3A_895 = arith.constant 0 : i32
    %dma_wait3A_896 = tpu.memref_slice %arg4[%mul3A_308, %dma_wait3A_895] : memref<80x768xf32, #tpu.memory_space<hbm>> -> memref<8x768xf32, #tpu.memory_space<hbm>>
    tpu.wait_dma2 semaphore(%arg12 : memref<!tpu.dma_semaphore, #tpu.memory_space<semaphore_mem>>) src(%dma_wait3A_896 : memref<8x768xf32, #tpu.memory_space<hbm>>) dst(%dma_wait3A_894 : memref<8x768xf32, #tpu.memory_space<hbm>>)
    %dma_wait3A_897 = arith.constant 1 : i32
    %dma_wait3A_898 = arith.constant 8 : i32
    %dma_wait3A_899 = arith.constant 0 : i32
    %dma_wait3A_900 = tpu.memref_slice %arg8[%dma_wait3A_897, %dma_wait3A_898, %dma_wait3A_899] : memref<4x2097x768xf32, #tpu.memory_space<hbm>> -> memref<1x8x768xf32, #tpu.memory_space<hbm>>
    %dma_wait3A_901 = tpu.memref_squeeze %dma_wait3A_900 : memref<1x8x768xf32, #tpu.memory_space<hbm>> -> memref<8x768xf32, #tpu.memory_space<hbm>>
    %dma_wait3A_902 = arith.constant 0 : i32
    %dma_wait3A_903 = tpu.memref_slice %arg5[%mul3A_322, %dma_wait3A_902] : memref<800x768xf32, #tpu.memory_space<hbm>> -> memref<8x768xf32, #tpu.memory_space<hbm>>
    tpu.wait_dma2 semaphore(%arg12 : memref<!tpu.dma_semaphore, #tpu.memory_space<semaphore_mem>>) src(%dma_wait3A_903 : memref<8x768xf32, #tpu.memory_space<hbm>>) dst(%dma_wait3A_901 : memref<8x768xf32, #tpu.memory_space<hbm>>)
    %dma_wait3A_904 = arith.constant 1 : i32
    %dma_wait3A_905 = arith.constant 16 : i32
    %dma_wait3A_906 = arith.constant 0 : i32
    %dma_wait3A_907 = tpu.memref_slice %arg8[%dma_wait3A_904, %dma_wait3A_905, %dma_wait3A_906] : memref<4x2097x768xf32, #tpu.memory_space<hbm>> -> memref<1x8x768xf32, #tpu.memory_space<hbm>>
    %dma_wait3A_908 = tpu.memref_squeeze %dma_wait3A_907 : memref<1x8x768xf32, #tpu.memory_space<hbm>> -> memref<8x768xf32, #tpu.memory_space<hbm>>
    %dma_wait3A_909 = arith.constant 0 : i32
    %dma_wait3A_910 = tpu.memref_slice %arg5[%mul3A_340, %dma_wait3A_909] : memref<800x768xf32, #tpu.memory_space<hbm>> -> memref<8x768xf32, #tpu.memory_space<hbm>>
    tpu.wait_dma2 semaphore(%arg12 : memref<!tpu.dma_semaphore, #tpu.memory_space<semaphore_mem>>) src(%dma_wait3A_910 : memref<8x768xf32, #tpu.memory_space<hbm>>) dst(%dma_wait3A_908 : memref<8x768xf32, #tpu.memory_space<hbm>>)
    %dma_wait3A_911 = arith.constant 1 : i32
    %dma_wait3A_912 = arith.constant 24 : i32
    %dma_wait3A_913 = arith.constant 0 : i32
    %dma_wait3A_914 = tpu.memref_slice %arg8[%dma_wait3A_911, %dma_wait3A_912, %dma_wait3A_913] : memref<4x2097x768xf32, #tpu.memory_space<hbm>> -> memref<1x8x768xf32, #tpu.memory_space<hbm>>
    %dma_wait3A_915 = tpu.memref_squeeze %dma_wait3A_914 : memref<1x8x768xf32, #tpu.memory_space<hbm>> -> memref<8x768xf32, #tpu.memory_space<hbm>>
    %dma_wait3A_916 = arith.constant 0 : i32
    %dma_wait3A_917 = tpu.memref_slice %arg5[%mul3A_358, %dma_wait3A_916] : memref<800x768xf32, #tpu.memory_space<hbm>> -> memref<8x768xf32, #tpu.memory_space<hbm>>
    tpu.wait_dma2 semaphore(%arg12 : memref<!tpu.dma_semaphore, #tpu.memory_space<semaphore_mem>>) src(%dma_wait3A_917 : memref<8x768xf32, #tpu.memory_space<hbm>>) dst(%dma_wait3A_915 : memref<8x768xf32, #tpu.memory_space<hbm>>)
    %dma_wait3A_918 = arith.constant 1 : i32
    %dma_wait3A_919 = arith.constant 32 : i32
    %dma_wait3A_920 = arith.constant 0 : i32
    %dma_wait3A_921 = tpu.memref_slice %arg8[%dma_wait3A_918, %dma_wait3A_919, %dma_wait3A_920] : memref<4x2097x768xf32, #tpu.memory_space<hbm>> -> memref<1x8x768xf32, #tpu.memory_space<hbm>>
    %dma_wait3A_922 = tpu.memref_squeeze %dma_wait3A_921 : memref<1x8x768xf32, #tpu.memory_space<hbm>> -> memref<8x768xf32, #tpu.memory_space<hbm>>
    %dma_wait3A_923 = arith.constant 0 : i32
    %dma_wait3A_924 = tpu.memref_slice %arg5[%mul3A_376, %dma_wait3A_923] : memref<800x768xf32, #tpu.memory_space<hbm>> -> memref<8x768xf32, #tpu.memory_space<hbm>>
    tpu.wait_dma2 semaphore(%arg12 : memref<!tpu.dma_semaphore, #tpu.memory_space<semaphore_mem>>) src(%dma_wait3A_924 : memref<8x768xf32, #tpu.memory_space<hbm>>) dst(%dma_wait3A_922 : memref<8x768xf32, #tpu.memory_space<hbm>>)
    %dma_wait3A_925 = arith.constant 1 : i32
    %dma_wait3A_926 = arith.constant 40 : i32
    %dma_wait3A_927 = arith.constant 0 : i32
    %dma_wait3A_928 = tpu.memref_slice %arg8[%dma_wait3A_925, %dma_wait3A_926, %dma_wait3A_927] : memref<4x2097x768xf32, #tpu.memory_space<hbm>> -> memref<1x8x768xf32, #tpu.memory_space<hbm>>
    %dma_wait3A_929 = tpu.memref_squeeze %dma_wait3A_928 : memref<1x8x768xf32, #tpu.memory_space<hbm>> -> memref<8x768xf32, #tpu.memory_space<hbm>>
    %dma_wait3A_930 = arith.constant 0 : i32
    %dma_wait3A_931 = tpu.memref_slice %arg5[%mul3A_394, %dma_wait3A_930] : memref<800x768xf32, #tpu.memory_space<hbm>> -> memref<8x768xf32, #tpu.memory_space<hbm>>
    tpu.wait_dma2 semaphore(%arg12 : memref<!tpu.dma_semaphore, #tpu.memory_space<semaphore_mem>>) src(%dma_wait3A_931 : memref<8x768xf32, #tpu.memory_space<hbm>>) dst(%dma_wait3A_929 : memref<8x768xf32, #tpu.memory_space<hbm>>)
    %dma_wait3A_932 = arith.constant 0 : i32
    %dma_wait3A_933 = arith.constant 2 : i32
    %dma_wait3A_934 = arith.constant 48 : i32
    %dma_wait3A_935 = arith.constant 0 : i32
    %dma_wait3A_936 = tpu.memref_slice %arg8[%dma_wait3A_933, %dma_wait3A_934, %dma_wait3A_935] : memref<4x2097x768xf32, #tpu.memory_space<hbm>> -> memref<1x8x768xf32, #tpu.memory_space<hbm>>
    %dma_wait3A_937 = tpu.memref_squeeze %dma_wait3A_936 : memref<1x8x768xf32, #tpu.memory_space<hbm>> -> memref<8x768xf32, #tpu.memory_space<hbm>>
    %dma_wait3A_938 = arith.constant 0 : i32
    %dma_wait3A_939 = arith.constant 0 : i32
    %dma_wait3A_940 = tpu.memref_slice %arg10[%dma_wait3A_932, %dma_wait3A_938, %dma_wait3A_939] : memref<2x8x768xf32, #tpu.memory_space<vmem>> -> memref<1x8x768xf32, #tpu.memory_space<vmem>>
    %dma_wait3A_941 = tpu.memref_squeeze %dma_wait3A_940 : memref<1x8x768xf32, #tpu.memory_space<vmem>> -> memref<8x768xf32, #tpu.memory_space<vmem>>
    tpu.wait_dma2 semaphore(%arg12 : memref<!tpu.dma_semaphore, #tpu.memory_space<semaphore_mem>>) src(%dma_wait3A_941 : memref<8x768xf32, #tpu.memory_space<vmem>>) dst(%dma_wait3A_937 : memref<8x768xf32, #tpu.memory_space<hbm>>)
    %dma_wait3A_942 = arith.constant 1 : i32
    %dma_wait3A_943 = arith.constant 2 : i32
    %dma_wait3A_944 = arith.constant 2096 : i32
    %dma_wait3A_945 = arith.constant 0 : i32
    %dma_wait3A_946 = tpu.memref_slice %arg8[%dma_wait3A_943, %dma_wait3A_944, %dma_wait3A_945] : memref<4x2097x768xf32, #tpu.memory_space<hbm>> -> memref<1x1x768xf32, #tpu.memory_space<hbm>>
    %dma_wait3A_947 = tpu.memref_squeeze %dma_wait3A_946 : memref<1x1x768xf32, #tpu.memory_space<hbm>> -> memref<1x768xf32, #tpu.memory_space<hbm>>
    %dma_wait3A_948 = arith.constant 0 : i32
    %dma_wait3A_949 = arith.constant 0 : i32
    %dma_wait3A_950 = tpu.memref_slice %arg10[%dma_wait3A_942, %dma_wait3A_948, %dma_wait3A_949] : memref<2x8x768xf32, #tpu.memory_space<vmem>> -> memref<1x1x768xf32, #tpu.memory_space<vmem>>
    %dma_wait3A_951 = tpu.memref_squeeze %dma_wait3A_950 : memref<1x1x768xf32, #tpu.memory_space<vmem>> -> memref<1x768xf32, #tpu.memory_space<vmem>>
    tpu.wait_dma2 semaphore(%arg12 : memref<!tpu.dma_semaphore, #tpu.memory_space<semaphore_mem>>) src(%dma_wait3A_951 : memref<1x768xf32, #tpu.memory_space<vmem>>) dst(%dma_wait3A_947 : memref<1x768xf32, #tpu.memory_space<hbm>>)
    %dma_wait3A_952 = arith.constant 2 : i32
    %dma_wait3A_953 = arith.constant 0 : i32
    %dma_wait3A_954 = arith.constant 0 : i32
    %dma_wait3A_955 = tpu.memref_slice %arg8[%dma_wait3A_952, %dma_wait3A_953, %dma_wait3A_954] : memref<4x2097x768xf32, #tpu.memory_space<hbm>> -> memref<1x8x768xf32, #tpu.memory_space<hbm>>
    %dma_wait3A_956 = tpu.memref_squeeze %dma_wait3A_955 : memref<1x8x768xf32, #tpu.memory_space<hbm>> -> memref<8x768xf32, #tpu.memory_space<hbm>>
    %dma_wait3A_957 = arith.constant 0 : i32
    %dma_wait3A_958 = tpu.memref_slice %arg4[%mul3A_511, %dma_wait3A_957] : memref<80x768xf32, #tpu.memory_space<hbm>> -> memref<8x768xf32, #tpu.memory_space<hbm>>
    tpu.wait_dma2 semaphore(%arg12 : memref<!tpu.dma_semaphore, #tpu.memory_space<semaphore_mem>>) src(%dma_wait3A_958 : memref<8x768xf32, #tpu.memory_space<hbm>>) dst(%dma_wait3A_956 : memref<8x768xf32, #tpu.memory_space<hbm>>)
    %dma_wait3A_959 = arith.constant 2 : i32
    %dma_wait3A_960 = arith.constant 8 : i32
    %dma_wait3A_961 = arith.constant 0 : i32
    %dma_wait3A_962 = tpu.memref_slice %arg8[%dma_wait3A_959, %dma_wait3A_960, %dma_wait3A_961] : memref<4x2097x768xf32, #tpu.memory_space<hbm>> -> memref<1x8x768xf32, #tpu.memory_space<hbm>>
    %dma_wait3A_963 = tpu.memref_squeeze %dma_wait3A_962 : memref<1x8x768xf32, #tpu.memory_space<hbm>> -> memref<8x768xf32, #tpu.memory_space<hbm>>
    %dma_wait3A_964 = arith.constant 0 : i32
    %dma_wait3A_965 = tpu.memref_slice %arg5[%mul3A_525, %dma_wait3A_964] : memref<800x768xf32, #tpu.memory_space<hbm>> -> memref<8x768xf32, #tpu.memory_space<hbm>>
    tpu.wait_dma2 semaphore(%arg12 : memref<!tpu.dma_semaphore, #tpu.memory_space<semaphore_mem>>) src(%dma_wait3A_965 : memref<8x768xf32, #tpu.memory_space<hbm>>) dst(%dma_wait3A_963 : memref<8x768xf32, #tpu.memory_space<hbm>>)
    %dma_wait3A_966 = arith.constant 2 : i32
    %dma_wait3A_967 = arith.constant 16 : i32
    %dma_wait3A_968 = arith.constant 0 : i32
    %dma_wait3A_969 = tpu.memref_slice %arg8[%dma_wait3A_966, %dma_wait3A_967, %dma_wait3A_968] : memref<4x2097x768xf32, #tpu.memory_space<hbm>> -> memref<1x8x768xf32, #tpu.memory_space<hbm>>
    %dma_wait3A_970 = tpu.memref_squeeze %dma_wait3A_969 : memref<1x8x768xf32, #tpu.memory_space<hbm>> -> memref<8x768xf32, #tpu.memory_space<hbm>>
    %dma_wait3A_971 = arith.constant 0 : i32
    %dma_wait3A_972 = tpu.memref_slice %arg5[%mul3A_543, %dma_wait3A_971] : memref<800x768xf32, #tpu.memory_space<hbm>> -> memref<8x768xf32, #tpu.memory_space<hbm>>
    tpu.wait_dma2 semaphore(%arg12 : memref<!tpu.dma_semaphore, #tpu.memory_space<semaphore_mem>>) src(%dma_wait3A_972 : memref<8x768xf32, #tpu.memory_space<hbm>>) dst(%dma_wait3A_970 : memref<8x768xf32, #tpu.memory_space<hbm>>)
    %dma_wait3A_973 = arith.constant 2 : i32
    %dma_wait3A_974 = arith.constant 24 : i32
    %dma_wait3A_975 = arith.constant 0 : i32
    %dma_wait3A_976 = tpu.memref_slice %arg8[%dma_wait3A_973, %dma_wait3A_974, %dma_wait3A_975] : memref<4x2097x768xf32, #tpu.memory_space<hbm>> -> memref<1x8x768xf32, #tpu.memory_space<hbm>>
    %dma_wait3A_977 = tpu.memref_squeeze %dma_wait3A_976 : memref<1x8x768xf32, #tpu.memory_space<hbm>> -> memref<8x768xf32, #tpu.memory_space<hbm>>
    %dma_wait3A_978 = arith.constant 0 : i32
    %dma_wait3A_979 = tpu.memref_slice %arg5[%mul3A_561, %dma_wait3A_978] : memref<800x768xf32, #tpu.memory_space<hbm>> -> memref<8x768xf32, #tpu.memory_space<hbm>>
    tpu.wait_dma2 semaphore(%arg12 : memref<!tpu.dma_semaphore, #tpu.memory_space<semaphore_mem>>) src(%dma_wait3A_979 : memref<8x768xf32, #tpu.memory_space<hbm>>) dst(%dma_wait3A_977 : memref<8x768xf32, #tpu.memory_space<hbm>>)
    %dma_wait3A_980 = arith.constant 2 : i32
    %dma_wait3A_981 = arith.constant 32 : i32
    %dma_wait3A_982 = arith.constant 0 : i32
    %dma_wait3A_983 = tpu.memref_slice %arg8[%dma_wait3A_980, %dma_wait3A_981, %dma_wait3A_982] : memref<4x2097x768xf32, #tpu.memory_space<hbm>> -> memref<1x8x768xf32, #tpu.memory_space<hbm>>
    %dma_wait3A_984 = tpu.memref_squeeze %dma_wait3A_983 : memref<1x8x768xf32, #tpu.memory_space<hbm>> -> memref<8x768xf32, #tpu.memory_space<hbm>>
    %dma_wait3A_985 = arith.constant 0 : i32
    %dma_wait3A_986 = tpu.memref_slice %arg5[%mul3A_579, %dma_wait3A_985] : memref<800x768xf32, #tpu.memory_space<hbm>> -> memref<8x768xf32, #tpu.memory_space<hbm>>
    tpu.wait_dma2 semaphore(%arg12 : memref<!tpu.dma_semaphore, #tpu.memory_space<semaphore_mem>>) src(%dma_wait3A_986 : memref<8x768xf32, #tpu.memory_space<hbm>>) dst(%dma_wait3A_984 : memref<8x768xf32, #tpu.memory_space<hbm>>)
    %dma_wait3A_987 = arith.constant 2 : i32
    %dma_wait3A_988 = arith.constant 40 : i32
    %dma_wait3A_989 = arith.constant 0 : i32
    %dma_wait3A_990 = tpu.memref_slice %arg8[%dma_wait3A_987, %dma_wait3A_988, %dma_wait3A_989] : memref<4x2097x768xf32, #tpu.memory_space<hbm>> -> memref<1x8x768xf32, #tpu.memory_space<hbm>>
    %dma_wait3A_991 = tpu.memref_squeeze %dma_wait3A_990 : memref<1x8x768xf32, #tpu.memory_space<hbm>> -> memref<8x768xf32, #tpu.memory_space<hbm>>
    %dma_wait3A_992 = arith.constant 0 : i32
    %dma_wait3A_993 = tpu.memref_slice %arg5[%mul3A_597, %dma_wait3A_992] : memref<800x768xf32, #tpu.memory_space<hbm>> -> memref<8x768xf32, #tpu.memory_space<hbm>>
    tpu.wait_dma2 semaphore(%arg12 : memref<!tpu.dma_semaphore, #tpu.memory_space<semaphore_mem>>) src(%dma_wait3A_993 : memref<8x768xf32, #tpu.memory_space<hbm>>) dst(%dma_wait3A_991 : memref<8x768xf32, #tpu.memory_space<hbm>>)
    %dma_wait3A_994 = arith.constant 0 : i32
    %dma_wait3A_995 = arith.constant 3 : i32
    %dma_wait3A_996 = arith.constant 48 : i32
    %dma_wait3A_997 = arith.constant 0 : i32
    %dma_wait3A_998 = tpu.memref_slice %arg8[%dma_wait3A_995, %dma_wait3A_996, %dma_wait3A_997] : memref<4x2097x768xf32, #tpu.memory_space<hbm>> -> memref<1x8x768xf32, #tpu.memory_space<hbm>>
    %dma_wait3A_999 = tpu.memref_squeeze %dma_wait3A_998 : memref<1x8x768xf32, #tpu.memory_space<hbm>> -> memref<8x768xf32, #tpu.memory_space<hbm>>
    %dma_wait3A_1000 = arith.constant 0 : i32
    %dma_wait3A_1001 = arith.constant 0 : i32
    %dma_wait3A_1002 = tpu.memref_slice %arg10[%dma_wait3A_994, %dma_wait3A_1000, %dma_wait3A_1001] : memref<2x8x768xf32, #tpu.memory_space<vmem>> -> memref<1x8x768xf32, #tpu.memory_space<vmem>>
    %dma_wait3A_1003 = tpu.memref_squeeze %dma_wait3A_1002 : memref<1x8x768xf32, #tpu.memory_space<vmem>> -> memref<8x768xf32, #tpu.memory_space<vmem>>
    tpu.wait_dma2 semaphore(%arg12 : memref<!tpu.dma_semaphore, #tpu.memory_space<semaphore_mem>>) src(%dma_wait3A_1003 : memref<8x768xf32, #tpu.memory_space<vmem>>) dst(%dma_wait3A_999 : memref<8x768xf32, #tpu.memory_space<hbm>>)
    %dma_wait3A_1004 = arith.constant 1 : i32
    %dma_wait3A_1005 = arith.constant 3 : i32
    %dma_wait3A_1006 = arith.constant 2096 : i32
    %dma_wait3A_1007 = arith.constant 0 : i32
    %dma_wait3A_1008 = tpu.memref_slice %arg8[%dma_wait3A_1005, %dma_wait3A_1006, %dma_wait3A_1007] : memref<4x2097x768xf32, #tpu.memory_space<hbm>> -> memref<1x1x768xf32, #tpu.memory_space<hbm>>
    %dma_wait3A_1009 = tpu.memref_squeeze %dma_wait3A_1008 : memref<1x1x768xf32, #tpu.memory_space<hbm>> -> memref<1x768xf32, #tpu.memory_space<hbm>>
    %dma_wait3A_1010 = arith.constant 0 : i32
    %dma_wait3A_1011 = arith.constant 0 : i32
    %dma_wait3A_1012 = tpu.memref_slice %arg10[%dma_wait3A_1004, %dma_wait3A_1010, %dma_wait3A_1011] : memref<2x8x768xf32, #tpu.memory_space<vmem>> -> memref<1x1x768xf32, #tpu.memory_space<vmem>>
    %dma_wait3A_1013 = tpu.memref_squeeze %dma_wait3A_1012 : memref<1x1x768xf32, #tpu.memory_space<vmem>> -> memref<1x768xf32, #tpu.memory_space<vmem>>
    tpu.wait_dma2 semaphore(%arg12 : memref<!tpu.dma_semaphore, #tpu.memory_space<semaphore_mem>>) src(%dma_wait3A_1013 : memref<1x768xf32, #tpu.memory_space<vmem>>) dst(%dma_wait3A_1009 : memref<1x768xf32, #tpu.memory_space<hbm>>)
    %dma_wait3A_1014 = arith.constant 3 : i32
    %dma_wait3A_1015 = arith.constant 0 : i32
    %dma_wait3A_1016 = arith.constant 0 : i32
    %dma_wait3A_1017 = tpu.memref_slice %arg8[%dma_wait3A_1014, %dma_wait3A_1015, %dma_wait3A_1016] : memref<4x2097x768xf32, #tpu.memory_space<hbm>> -> memref<1x8x768xf32, #tpu.memory_space<hbm>>
    %dma_wait3A_1018 = tpu.memref_squeeze %dma_wait3A_1017 : memref<1x8x768xf32, #tpu.memory_space<hbm>> -> memref<8x768xf32, #tpu.memory_space<hbm>>
    %dma_wait3A_1019 = arith.constant 0 : i32
    %dma_wait3A_1020 = tpu.memref_slice %arg4[%mul3A_714, %dma_wait3A_1019] : memref<80x768xf32, #tpu.memory_space<hbm>> -> memref<8x768xf32, #tpu.memory_space<hbm>>
    tpu.wait_dma2 semaphore(%arg12 : memref<!tpu.dma_semaphore, #tpu.memory_space<semaphore_mem>>) src(%dma_wait3A_1020 : memref<8x768xf32, #tpu.memory_space<hbm>>) dst(%dma_wait3A_1018 : memref<8x768xf32, #tpu.memory_space<hbm>>)
    %dma_wait3A_1021 = arith.constant 3 : i32
    %dma_wait3A_1022 = arith.constant 8 : i32
    %dma_wait3A_1023 = arith.constant 0 : i32
    %dma_wait3A_1024 = tpu.memref_slice %arg8[%dma_wait3A_1021, %dma_wait3A_1022, %dma_wait3A_1023] : memref<4x2097x768xf32, #tpu.memory_space<hbm>> -> memref<1x8x768xf32, #tpu.memory_space<hbm>>
    %dma_wait3A_1025 = tpu.memref_squeeze %dma_wait3A_1024 : memref<1x8x768xf32, #tpu.memory_space<hbm>> -> memref<8x768xf32, #tpu.memory_space<hbm>>
    %dma_wait3A_1026 = arith.constant 0 : i32
    %dma_wait3A_1027 = tpu.memref_slice %arg5[%mul3A_728, %dma_wait3A_1026] : memref<800x768xf32, #tpu.memory_space<hbm>> -> memref<8x768xf32, #tpu.memory_space<hbm>>
    tpu.wait_dma2 semaphore(%arg12 : memref<!tpu.dma_semaphore, #tpu.memory_space<semaphore_mem>>) src(%dma_wait3A_1027 : memref<8x768xf32, #tpu.memory_space<hbm>>) dst(%dma_wait3A_1025 : memref<8x768xf32, #tpu.memory_space<hbm>>)
    %dma_wait3A_1028 = arith.constant 3 : i32
    %dma_wait3A_1029 = arith.constant 16 : i32
    %dma_wait3A_1030 = arith.constant 0 : i32
    %dma_wait3A_1031 = tpu.memref_slice %arg8[%dma_wait3A_1028, %dma_wait3A_1029, %dma_wait3A_1030] : memref<4x2097x768xf32, #tpu.memory_space<hbm>> -> memref<1x8x768xf32, #tpu.memory_space<hbm>>
    %dma_wait3A_1032 = tpu.memref_squeeze %dma_wait3A_1031 : memref<1x8x768xf32, #tpu.memory_space<hbm>> -> memref<8x768xf32, #tpu.memory_space<hbm>>
    %dma_wait3A_1033 = arith.constant 0 : i32
    %dma_wait3A_1034 = tpu.memref_slice %arg5[%mul3A_746, %dma_wait3A_1033] : memref<800x768xf32, #tpu.memory_space<hbm>> -> memref<8x768xf32, #tpu.memory_space<hbm>>
    tpu.wait_dma2 semaphore(%arg12 : memref<!tpu.dma_semaphore, #tpu.memory_space<semaphore_mem>>) src(%dma_wait3A_1034 : memref<8x768xf32, #tpu.memory_space<hbm>>) dst(%dma_wait3A_1032 : memref<8x768xf32, #tpu.memory_space<hbm>>)
    %dma_wait3A_1035 = arith.constant 3 : i32
    %dma_wait3A_1036 = arith.constant 24 : i32
    %dma_wait3A_1037 = arith.constant 0 : i32
    %dma_wait3A_1038 = tpu.memref_slice %arg8[%dma_wait3A_1035, %dma_wait3A_1036, %dma_wait3A_1037] : memref<4x2097x768xf32, #tpu.memory_space<hbm>> -> memref<1x8x768xf32, #tpu.memory_space<hbm>>
    %dma_wait3A_1039 = tpu.memref_squeeze %dma_wait3A_1038 : memref<1x8x768xf32, #tpu.memory_space<hbm>> -> memref<8x768xf32, #tpu.memory_space<hbm>>
    %dma_wait3A_1040 = arith.constant 0 : i32
    %dma_wait3A_1041 = tpu.memref_slice %arg5[%mul3A_764, %dma_wait3A_1040] : memref<800x768xf32, #tpu.memory_space<hbm>> -> memref<8x768xf32, #tpu.memory_space<hbm>>
    tpu.wait_dma2 semaphore(%arg12 : memref<!tpu.dma_semaphore, #tpu.memory_space<semaphore_mem>>) src(%dma_wait3A_1041 : memref<8x768xf32, #tpu.memory_space<hbm>>) dst(%dma_wait3A_1039 : memref<8x768xf32, #tpu.memory_space<hbm>>)
    %dma_wait3A_1042 = arith.constant 3 : i32
    %dma_wait3A_1043 = arith.constant 32 : i32
    %dma_wait3A_1044 = arith.constant 0 : i32
    %dma_wait3A_1045 = tpu.memref_slice %arg8[%dma_wait3A_1042, %dma_wait3A_1043, %dma_wait3A_1044] : memref<4x2097x768xf32, #tpu.memory_space<hbm>> -> memref<1x8x768xf32, #tpu.memory_space<hbm>>
    %dma_wait3A_1046 = tpu.memref_squeeze %dma_wait3A_1045 : memref<1x8x768xf32, #tpu.memory_space<hbm>> -> memref<8x768xf32, #tpu.memory_space<hbm>>
    %dma_wait3A_1047 = arith.constant 0 : i32
    %dma_wait3A_1048 = tpu.memref_slice %arg5[%mul3A_782, %dma_wait3A_1047] : memref<800x768xf32, #tpu.memory_space<hbm>> -> memref<8x768xf32, #tpu.memory_space<hbm>>
    tpu.wait_dma2 semaphore(%arg12 : memref<!tpu.dma_semaphore, #tpu.memory_space<semaphore_mem>>) src(%dma_wait3A_1048 : memref<8x768xf32, #tpu.memory_space<hbm>>) dst(%dma_wait3A_1046 : memref<8x768xf32, #tpu.memory_space<hbm>>)
    %dma_wait3A_1049 = arith.constant 3 : i32
    %dma_wait3A_1050 = arith.constant 40 : i32
    %dma_wait3A_1051 = arith.constant 0 : i32
    %dma_wait3A_1052 = tpu.memref_slice %arg8[%dma_wait3A_1049, %dma_wait3A_1050, %dma_wait3A_1051] : memref<4x2097x768xf32, #tpu.memory_space<hbm>> -> memref<1x8x768xf32, #tpu.memory_space<hbm>>
    %dma_wait3A_1053 = tpu.memref_squeeze %dma_wait3A_1052 : memref<1x8x768xf32, #tpu.memory_space<hbm>> -> memref<8x768xf32, #tpu.memory_space<hbm>>
    %dma_wait3A_1054 = arith.constant 0 : i32
    %dma_wait3A_1055 = tpu.memref_slice %arg5[%mul3A_800, %dma_wait3A_1054] : memref<800x768xf32, #tpu.memory_space<hbm>> -> memref<8x768xf32, #tpu.memory_space<hbm>>
    tpu.wait_dma2 semaphore(%arg12 : memref<!tpu.dma_semaphore, #tpu.memory_space<semaphore_mem>>) src(%dma_wait3A_1055 : memref<8x768xf32, #tpu.memory_space<hbm>>) dst(%dma_wait3A_1053 : memref<8x768xf32, #tpu.memory_space<hbm>>)
    return
  }
}

</mosaic_0001>

<sc_bundles>
// kernel: kernel.5.cloned.1.call-start
scs
__scs_entry_jumppad:
0x0: {  	(pc) =	sbr.rel $0x88, $3  }
0x1: {  	(tag) =	ssettag $0x0;
	lr =	simm.s32 $0x1  }
0x2: {  	[smem:$0x3F9B] =	sst lr;
	_ =	strace $0xD0000000  }
0x3: {  	_ = 	snop  }
0x4: {  	_ = 	snop  }
0x5: {  	_ = 	snop  }
0x6: {  	_ = 	snop  }
0x7: {  	_ = 	snop  }
__scs_overlays_trampoline_lowered:
0x8: {  	[smem:$0x3FAA] =	sst s0  }
0x9: {  	[smem:$0x3FAB] =	sst s1  }
0xa: {  	[smem:$0x3FAC] =	sst s2  }
0xb: {  	[smem:$0x3FAD] =	sst s3  }
0xc: {  	[smem:$0x3FAE] =	sst s4  }
0xd: {  	[smem:$0x3FAF] =	sst s5  }
0xe: {  	[smem:$0x3FB0] =	sst s6  }
0xf: {  	[smem:$0x3FB1] =	sst s7  }
0x10: {  	[smem:$0x3FB2] =	sst s8  }
0x11: {  	[smem:$0x3FB3] =	sst s9;
	s0 =	simm.s32 @!p0 $0x0  }
0x12: {  	s1 =	sld [smem:$0x3F99];
	s0 =	simm.s32 @p0 $0x1  }
0x13: {  	[smem:$0x3FB4] =	sst s0;
	s0 =	simm.s32 @!p1 $0x0  }
0x14: {  	s2 =	sld [smem:$0x3F98];
	s0 =	simm.s32 @p1 $0x1  }
0x15: {  	[smem:$0x3FB5] =	sst s0;
	s0 =	simm.s32 @!p2 $0x0  }
0x16: {  	s3 =	sld [smem:$0x3FDB];
	s0 =	simm.s32 @p2 $0x1  }
0x17: {  	s4 =	simm.s32 $0x1BF5;
	[smem:$0x3FB7] =	sst s0  }
0x18: {  	s0 =	sld [smem:$0x3F9A];
	_ =	swait.ge [sflag:s4], $0x0  }
0x19: {  	s7 =	sld [smem:$0x3F9B]  }
0x1a: {  	s8 =	sadd.s32 $0xFFFFE003, lr  }
0x1b: {  	s9 =	sadd.s32 $0xFFFFFEF7, lr;
	s5 =	simm.s32 $0xFFFFFFFF;
	p2 =	slt.u32 s8, $0xFFFFF086  }
0x1c: {  	p1 =	slt.u32 s9, $0xF7A;
	s5 =	simm.s32 @!p2 $0x0  }
0x1d: {  	s5 =	simm.s32 @p1 $0x1;
	p0 =	seq.s32 s7, s2  }
0x1e: {  	s7 =	smul.u32 @!p0 $0xF7A, s2;
	p2 =	seq.s32 @!p0 s5, $0x0  }
0x1f: {  	s9 =	smul.u32 $0xF7A, s1;
	s8 =	simm.s32 @!p0 $0x1BF5;
	p2 =	por !p2, p0  }
0x20: {  	[sflag:s8] =	ssyncset.s32 @!p0 $0xFFFFF086;
	s6 =	sadd.s32 @!p0 s3, s7;
	s7 =	simm.s32 @!p0 $0x108  }
0x21: {  	s3 =	sadd.s32 s3, s9;
	s6 =	sadd.s32 @!p0 $0x88, s6;
	s7 =	simm.s32 @p2 $0x1082  }
0x22: {  	[simem:s7], [sflag:s8] =	dma.local @!p0 [hbm:s6], $0xF7A  }
0x23: {  	s9 =	sor.u32 $0xD0000000, s2;
	s6 =	simm.s32 $0x108;
	_ =	swait.ge @!p0 [sflag:s8], $0x0  }
0x24: {  	s3 =	sadd.s32 $0x88, s3;
	s6 =	simm.s32 @!p1 $0x1082;
	[sflag:s4] =	ssyncset.s32 $0xFFFFF086  }
0x25: {  	[simem:s6], [sflag:s4] =	dma.local [hbm:s3], $0xF7A  }
0x26: {  	[smem:$0x3F9B] =	sst s1;
	(tag) =	ssettag s2;
	_ =	strace s9  }
0x27: {  	s1 =	sld [smem:$0x3FAB]  }
0x28: {  	s2 =	sld [smem:$0x3FAC]  }
0x29: {  	s4 =	sld [smem:$0x3FAE]  }
0x2a: {  	p0 =	seq.s32 s5, $0x0;
	s5 =	sld [smem:$0x3FAF]  }
0x2b: {  	s6 =	sld [smem:$0x3FB0]  }
0x2c: {  	s7 =	sld [smem:$0x3FB1]  }
0x2d: {  	s3 =	simm.s32 $0x108;
	s8 =	sld [smem:$0x3FB2]  }
0x2e: {  	s3 =	simm.s32 @!p0 $0x1082;
	s9 =	sld [smem:$0x3FB3]  }
0x2f: {  	lr =	sadd.s32 s0, s3;
	s0 =	sld [smem:$0x3FAA]  }
0x30: {  	s3 =	sld [smem:$0x3FAD]  }
0x31: {  	[smem:$0x3FB6] =	sst s10  }
0x32: {  	s10 =	sld [smem:$0x3FB4];
	_ =	sdelay $0x3  }
0x33: {  	p0 =	seq.s32 s10, $0x1;
	s10 =	sld [smem:$0x3FB6];
	_ =	sdelay $0x3  }
0x34: {  	[smem:$0x3FB6] =	sst s10  }
0x35: {  	s10 =	sld [smem:$0x3FB5];
	_ =	sdelay $0x3  }
0x36: {  	p1 =	seq.s32 s10, $0x1;
	s10 =	sld [smem:$0x3FB6];
	_ =	sdelay $0x3  }
0x37: {  	[smem:$0x3FB6] =	sst s10  }
0x38: {  	s10 =	sld [smem:$0x3FB7]  }
0x39: {  	_ = 	snop;
	(pc) =	sbr.ind lr, $3  }
0x3a: {  	_ = 	snop  }
0x3b: {  	_ = 	snop  }
0x3c: {  	p2 =	seq.s32 s10, $0x1;
	s10 =	sld [smem:$0x3FB6]  }
0x3d: {  	_ =	shalt  }
0x3e: {  	_ =	shalt  }
0x3f: {  	_ =	shalt  }
0x40: {  	_ =	shalt  }
0x41: {  	_ =	shalt  }
0x42: {  	_ =	shalt  }
0x43: {  	_ =	shalt  }
0x44: {  	_ =	shalt  }
0x45: {  	_ =	shalt  }
0x46: {  	_ =	shalt  }
0x47: {  	_ =	shalt  }
0x48: {  	_ =	shalt  }
0x49: {  	_ =	shalt  }
0x4a: {  	_ =	shalt  }
0x4b: {  	_ =	shalt  }
0x4c: {  	_ =	shalt  }
0x4d: {  	_ =	shalt  }
0x4e: {  	_ =	shalt  }
0x4f: {  	_ =	shalt  }
0x50: {  	_ =	shalt  }
0x51: {  	_ =	shalt  }
0x52: {  	_ =	shalt  }
0x53: {  	_ =	shalt  }
0x54: {  	_ =	shalt  }
0x55: {  	_ =	shalt  }
0x56: {  	_ =	shalt  }
0x57: {  	_ =	shalt  }
0x58: {  	_ =	shalt  }
0x59: {  	_ =	shalt  }
0x5a: {  	_ =	shalt  }
0x5b: {  	_ =	shalt  }
0x5c: {  	_ =	shalt  }
0x5d: {  	_ =	shalt  }
0x5e: {  	_ =	shalt  }
0x5f: {  	_ =	shalt  }
0x60: {  	_ =	shalt  }
0x61: {  	_ =	shalt  }
0x62: {  	_ =	shalt  }
0x63: {  	_ =	shalt  }
0x64: {  	_ =	shalt  }
0x65: {  	_ =	shalt  }
0x66: {  	_ =	shalt  }
0x67: {  	_ =	shalt  }
0x68: {  	_ =	shalt  }
0x69: {  	_ =	shalt  }
0x6a: {  	_ =	shalt  }
0x6b: {  	_ =	shalt  }
0x6c: {  	_ =	shalt  }
0x6d: {  	_ =	shalt  }
0x6e: {  	_ =	shalt  }
0x6f: {  	_ =	shalt  }
0x70: {  	_ =	shalt  }
0x71: {  	_ =	shalt  }
0x72: {  	_ =	shalt  }
0x73: {  	_ =	shalt  }
0x74: {  	_ =	shalt  }
0x75: {  	_ =	shalt  }
0x76: {  	_ =	shalt  }
0x77: {  	_ =	shalt  }
0x78: {  	_ =	shalt  }
0x79: {  	_ =	shalt  }
0x7a: {  	_ =	shalt  }
0x7b: {  	_ =	shalt  }
0x7c: {  	_ =	shalt  }
0x7d: {  	_ =	shalt  }
0x7e: {  	_ =	shalt  }
0x7f: {  	_ =	shalt  }
0x80: {  	_ =	shalt  }
0x81: {  	_ =	shalt  }
0x82: {  	_ =	shalt  }
0x83: {  	_ =	shalt  }
0x84: {  	_ =	shalt  }
0x85: {  	_ =	shalt  }
0x86: {  	_ =	shalt  }
0x87: {  	_ =	shalt  }
.Lfunc_end0:
.L_simem_size_0:
called_computation_lowered:
.L_overlay_start_0:
0x88: {  	s2 =	sld [smem:$0x3FD9]  }
0x89: {  	s3 =	sld [smem:$0x3FFE];
	_ =	sdelay $0x1  }
0x8a: {  	s1 =	srdreg.scid  }
0x8b: {  	s0 =	sand.u32 $0x1, s1  }
0x8c: {  	s17 =	sshll.u32 s0, $0xA;
	s2 =	sadd.s32 s3, s2  }
0x8d: {  	s2 =	sadd.s32 s2, s17  }
0x8e: {  	[smem:$0x3FC2] =	sst s2  }
0x8f: {  	_ = 	snop  }
0x90: {  	s2 =	sld [smem:$0x3FC9];
	(tm) =	ssettm $0x1  }
0x91: {  	s18 =	sld [smem:$0x3FFB];
	_ =	sdelay $0x3  }
0x92: {  	_ =	strace s18  }
0x93: {  	s3 =	sld [smem:$0x3FFC];
	_ =	sdelay $0x3  }
0x94: {  	_ =	strace s3  }
0x95: {  	s3 =	sld [smem:$0x3FFD];
	_ =	sdelay $0x3  }
0x96: {  	_ =	strace s3  }
0x97: {  	_ =	strace $0x8FFFFFFF  }
0x98: {  	s19 =	sld [smem:$0x3FDB];
	_ =	sdelay $0x1  }
0x99: {  	s4 =	simm.s32 $_scs_section_size  }
0x9a: {  	s5 =	simm.s32 $_size__tile_overlayer_lowered;
	s6 =	simm.s32 $_tile_overlayer_lowered  }
0x9b: {  	s22 =	simm.s32 $0x1BFF;
	s21 =	sshll.u32 s6, $0x1;
	s3 =	sadd.s32 s4, s19  }
0x9c: {  	s7 =	simm.s32 $0x0;
	s20 =	sshll.u32 s5, $0x1;
	s5 =	sadd.s32 s21, s3  }
0x9d: {  	[timem:s7], [sflag:s22] =	dma.local [hbm:s5], s20  }
0x9e: {  	_ =	swait.ge [sflag:s22], s20  }
0x9f: {  	s4 =	ssub.s32 $0x0, s20;
	[sflag:s22] =	ssyncset.done $0x0  }
0xa0: {  	[sflag:s22] =	ssyncadd.s32 s4;
	_ =	sdelay $0x1  }
0xa1: {  	s23 =	simm.s32 $0x1B8B  }
0xa2: {  	_ =	swait.ge [sflag:s23], $0x1  }
0xa3: {  	[sflag:s23] =	ssyncset.done $0x0  }
0xa4: {  	s25 =	simm.s32 $0x1B8E;
	s24 =	sld [smem:$0x3FFE];
	[sflag:s23] =	ssyncadd.s32 $0xFFFFFFFF  }
0xa5: {  	s26 =	simm.s32 $execute0_lowered;
	[smem:$0x3FD2] =	sst s25  }
0xa6: {  	s5 =	sshll.u32 s26, $0x1;
	_ =	strace $0x80000046;
	[dreg:$0x1] =	wrdreg $0xFFFFFFFF  }
0xa7: {  	s28 =	simm.s32 $_size_execute0_lowered;
	s3 =	sadd.s32 s3, s5;
	[dreg:$0x0] =	wrdreg $0x0  }
0xa8: {  	s5 =	sshll.u32 s28, $0x1;
	[dreg:$0x2] =	wrdreg s3  }
0xa9: {  	[dreg:$0x3] =	wrdreg s5  }
0xaa: {  	[dreg:$0x4] =	wrdreg $0xC0  }
0xab: {  	_ =	task [dreg:s7], $0x5FFFF  }
0xac: {  	[dreg:$0x1] =	wrdreg $0xFFFFFFFF  }
0xad: {  	[dreg:$0x0] =	wrdreg $0x60  }
0xae: {  	[dreg:$0x2] =	wrdreg s2  }
0xaf: {  	[dreg:$0x3] =	wrdreg s24  }
0xb0: {  	[dreg:$0x4] =	wrdreg $0x9  }
0xb1: {  	_ =	task.clear_ibuf [dreg:s7], $0x5FFFF;
	_ =	strace $0x90000046  }
0xb2: {  	s29 =	simm.s32 $0x9;
	_ =	strace $0x80000048  }
0xb3: {  	_ =	swait.ge [sflag:s29], $0x1  }
0xb4: {  	[sflag:s29] =	ssyncadd.s32 $0xFFFFFFFF  }
0xb5: {  	_ =	strace $0x90000048  }
0xb6: {  	_ =	sfence  }
0xb7: {  	s30 =	sld [smem:$0x0];
	_ =	sdelay $0x2  }
0xb8: {  	s31 =	sshll.u32 s1, $0xD;
	s1 =	sshrl.u32 s1, $0x2  }
0xb9: {  	s3 =	sand.u32 $0x4000, s31;
	s1 =	sadd.s32 s1, s30  }
0xba: {  	s0 =	sor.u32 s3, s0;
	s1 =	sshll.u32 s1, $0x11  }
0xbb: {  	s0 =	sor.u32 s1, s0  }
0xbc: {  	s0 =	sadd.s32 $0x8F2B, s0  }
0xbd: {  	[sflag:s0] =	ssyncadd.remote.s32 $0x1  }
0xbe: {  	_ =	sfence.sel $0xFFFF  }
0xbf: {  	[dreg:$0x0] =	wrdreg $0xFFFFFFFF;
	(pc) =	sbr.abs _section_cstart, $3  }
0xc0: {  	[dreg:$0x1] =	wrdreg $0xFFFFFFFF  }
0xc1: {  	_ =	task.clear_ibuf [dreg:s7], $0x2FFFF;
	_ =	strace $0x9FFFFFFF  }
0xc2: {  	(tm) =	ssettm $0x7FFFFFFF  }
0xc3: {  	_ =	shalt  }
tec
execute0_lowered:
.L_overlay_start_1:
0x0: {  	(tag) =	ssettag $0x1  }
0x1: {  	s0 =	srdreg.scid  }
0x2: {  	s1 =	stileid.u32;
	s4 =	rddreg [dreg:$0x1];
	s3 =	simm.s32 $0x0  }
0x3: {  	s15 =	simm.s32 $0x1;
	s16 =	simm.s32 $0x3;
	s0 =	sand.u32 $0x1, s0  }
0x4: {  	s17 =	simm.s32 $0x2;
	s1 =	sshll.u32 s1, $0x7;
	s2 =	sshll.u32 s0, $0x6  }
0x5: {  	s18 =	simm.s32 $0x4;
	s22 =	simm.s32 $0x1080;
	s1 =	sor.u32 s2, s1  }
0x6: {  	s28 =	simm.s32 $0x3880;
	s29 =	simm.s32 $0x4080;
	s1 =	sor.u32 $0x38, s1  }
0x7: {  	s30 =	simm.s32 $0x4880;
	s31 =	simm.s32 $0x5080;
	s1 =	smin.u32 s1, $0x7F0  }
0x8: {  	v2 =	vlaneseq.u32;
	s11 =	simm.s32 $0x6880;
	s14 =	simm.s32 $0x7880;
	s5 =	sshrl.u32 s1, $0x3  }
0x9: {  	[smem:$0x7FF] =	sst s3;
	v0 =	vadd.s32 $0xFFFFFFFF, v2;
	s13 =	sadd.s32 $0xFFFFFFD0, s1;
	s5 =	smul.u32 $0x1800, s5  }
0xa: {  	s12 =	simm.s32 $0x8880;
	s0 =	ssub.s32 $0x2, s0;
	s2 =	rddreg [dreg:$0x0];
	v0 =	vadd.s32 s13, v0  }
0xb: {  	_ =	strace $0x80000047;
	s6 =	sshrl.u32 s0, $0x1;
	v1 =	vshrl.u32 v0, $0x3;
	s5 =	sshrl.u32 s5, $0x3  }
0xc: {  	v4 =	vadd.s32 $0xF, v2;
	v5 =	vadd.s32 $0x1F, v2;
	s0 =	ssub.s32 s0, s6;
	s6 =	sadd.s32 $0x30000, s2;
	v1 =	vmul.u32 $0x30, v1;
	s9 =	sadd.s32 s5, s4  }
0xd: {  	v6 =	vadd.s32 $0x2F, v2;
	s7 =	sadd.s32 $0x60000, s2;
	s8 =	sadd.s32 $0x90000, s2;
	v4 =	vadd.s32 s13, v4;
	v3 =	vand.u32 $0x7, v0;
	s23 =	sadd.s32 $0xC00, s9  }
0xe: {  	v5 =	vadd.s32 s13, v5;
	v6 =	vadd.s32 s13, v6;
	s13 =	simm.s32 $0x7080;
	s24 =	sadd.s32 $0x32100, s9;
	v7 =	vor.u32 v3, v1;
	[dreg:$0x3] =	wrdreg s23  }
0xf: {  	s4 =	sadd.s32 $0x100, s2;
	s25 =	sadd.s32 $0x63600, s9;
	v1 =	vand.u32 $0x7, v2;
	v3 =	vshrl.u32 v2, $0x3;
	v2 =	vor.u32 $0x8, v2;
	[dreg:$0x4] =	wrdreg s24  }
0x10: {  	s5 =	sadd.s32 $0x200, s2;
	s26 =	sadd.s32 $0x94B00, s9;
	[dreg:$0x5] =	wrdreg s25;
	v8 =	vperm.xlane v7, v1;
	v3 =	vmul.u32 $0x8, v3;
	v9 =	vperm.xlane v7, v2  }
0x11: {  	s9 =	smax.u32 s0, $0x1;
	[dreg:$0x6] =	wrdreg s26;
	s23 =	simm.s32 $0x1880  }
0x12: {  	vm0 =	vmmov $0xffff;
	s24 =	simm.s32 $0x2080;
	s25 =	simm.s32 $0x2880;
	s26 =	simm.s32 $0x3080;
	v7 =	vadd.s32 v3, v8;
	v8 =	vadd.s32 v3, v9  }
.LBB2_1:
0x13: {  	[tilespmem:$0x0] =	vst v0  }
0x14: {  	[tilespmem:$0x10] =	vst v4  }
0x15: {  	[tilespmem:$0x20] =	vst v5  }
0x16: {  	[tilespmem:$0x30] =	vst v6;
	s0 =	simm.s32 $0x80  }
0x17: {  	[tilespmem:s0], [sflag:$0x1] =	stream.indirect_vreg.gather [hbm4b:s2+s3], $0x80, v7, vm0, $0xb8;
	[tilespmem:$0x18080] =	vst v63  }
0x18: {  	s21 =	simm.s32 $0x880  }
0x19: {  	[tilespmem:s21], [sflag:$0x1] =	stream.indirect_vreg.gather [hbm4b:s4+s3], $0x80, v7, vm0, $0xb8;
	[tilespmem:$0x18080] =	vst v63  }
0x1a: {  	_ = 	snop  }
0x1b: {  	[tilespmem:s22], [sflag:$0x1] =	stream.indirect_vreg.gather [hbm4b:s5+s3], $0x80, v7, vm0, $0xb8;
	[tilespmem:$0x18080] =	vst v63  }
0x1c: {  	_ = 	snop  }
0x1d: {  	[tilespmem:s23], [sflag:$0x1] =	stream.indirect_vreg.gather [hbm4b:s2+s3], $0x80, v8, vm0, $0xb8;
	[tilespmem:$0x18080] =	vst v63  }
0x1e: {  	_ = 	snop  }
0x1f: {  	[tilespmem:s24], [sflag:$0x1] =	stream.indirect_vreg.gather [hbm4b:s4+s3], $0x80, v8, vm0, $0xb8;
	[tilespmem:$0x18080] =	vst v63  }
0x20: {  	_ = 	snop  }
0x21: {  	[tilespmem:s25], [sflag:$0x1] =	stream.indirect_vreg.gather [hbm4b:s5+s3], $0x80, v8, vm0, $0xb8;
	[tilespmem:$0x18080] =	vst v63  }
0x22: {  	v9 =	vld [tilespmem:$0x10];
	_ =	sdelay $0x4  }
0x23: {  	v10 =	vshrl.u32 v9, $0x3  }
0x24: {  	v10 =	vmul.u32 $0x30, v10  }
0x25: {  	v9 =	vand.u32 $0x7, v9  }
0x26: {  	v9 =	vor.u32 v9, v10  }
0x27: {  	v10 =	vperm.xlane v9, v1;
	_ =	sdelay $0x1  }
0x28: {  	v10 =	vadd.s32 v3, v10;
	_ =	sdelay $0x3  }
0x29: {  	v9 =	vperm.xlane v9, v2  }
0x2a: {  	[tilespmem:s26], [sflag:$0x1] =	stream.indirect_vreg.gather [hbm4b:s2+s3], $0x80, v10, vm0, $0xb8;
	[tilespmem:$0x18080] =	vst v63  }
0x2b: {  	v9 =	vadd.s32 v3, v9  }
0x2c: {  	[tilespmem:s28], [sflag:$0x1] =	stream.indirect_vreg.gather [hbm4b:s4+s3], $0x80, v10, vm0, $0xb8;
	[tilespmem:$0x18080] =	vst v63  }
0x2d: {  	_ = 	snop  }
0x2e: {  	[tilespmem:s29], [sflag:$0x1] =	stream.indirect_vreg.gather [hbm4b:s5+s3], $0x80, v10, vm0, $0xb8;
	[tilespmem:$0x18080] =	vst v63  }
0x2f: {  	_ = 	snop  }
0x30: {  	[tilespmem:s30], [sflag:$0x1] =	stream.indirect_vreg.gather [hbm4b:s2+s3], $0x80, v9, vm0, $0xb8;
	[tilespmem:$0x18080] =	vst v63  }
0x31: {  	_ = 	snop  }
0x32: {  	[tilespmem:s31], [sflag:$0x1] =	stream.indirect_vreg.gather [hbm4b:s4+s3], $0x80, v9, vm0, $0xb8;
	[tilespmem:$0x18080] =	vst v63  }
0x33: {  	s19 =	simm.s32 $0x5880  }
0x34: {  	[tilespmem:s19], [sflag:$0x1] =	stream.indirect_vreg.gather [hbm4b:s5+s3], $0x80, v9, vm0, $0xb8;
	[tilespmem:$0x18080] =	vst v63  }
0x35: {  	v9 =	vld [tilespmem:$0x20];
	_ =	sdelay $0x4  }
0x36: {  	v10 =	vshrl.u32 v9, $0x3  }
0x37: {  	v10 =	vmul.u32 $0x30, v10  }
0x38: {  	v9 =	vand.u32 $0x7, v9  }
0x39: {  	v9 =	vor.u32 v9, v10  }
0x3a: {  	v10 =	vperm.xlane v9, v1;
	_ =	sdelay $0x1  }
0x3b: {  	v10 =	vadd.s32 v3, v10;
	_ =	sdelay $0x3  }
0x3c: {  	s20 =	simm.s32 $0x6080;
	v9 =	vperm.xlane v9, v2  }
0x3d: {  	[tilespmem:s20], [sflag:$0x1] =	stream.indirect_vreg.gather [hbm4b:s2+s3], $0x80, v10, vm0, $0xb8;
	[tilespmem:$0x18080] =	vst v63  }
0x3e: {  	v9 =	vadd.s32 v3, v9  }
0x3f: {  	[tilespmem:s11], [sflag:$0x1] =	stream.indirect_vreg.gather [hbm4b:s4+s3], $0x80, v10, vm0, $0xb8;
	[tilespmem:$0x18080] =	vst v63  }
0x40: {  	_ = 	snop  }
0x41: {  	[tilespmem:s13], [sflag:$0x1] =	stream.indirect_vreg.gather [hbm4b:s5+s3], $0x80, v10, vm0, $0xb8;
	[tilespmem:$0x18080] =	vst v63  }
0x42: {  	_ = 	snop  }
0x43: {  	[tilespmem:s14], [sflag:$0x1] =	stream.indirect_vreg.gather [hbm4b:s2+s3], $0x80, v9, vm0, $0xb8;
	[tilespmem:$0x18080] =	vst v63  }
0x44: {  	s10 =	simm.s32 $0x8080  }
0x45: {  	[tilespmem:s10], [sflag:$0x1] =	stream.indirect_vreg.gather [hbm4b:s4+s3], $0x80, v9, vm0, $0xb8;
	[tilespmem:$0x18080] =	vst v63  }
0x46: {  	_ = 	snop  }
0x47: {  	[tilespmem:s12], [sflag:$0x1] =	stream.indirect_vreg.gather [hbm4b:s5+s3], $0x80, v9, vm0, $0xb8;
	[tilespmem:$0x18080] =	vst v63  }
0x48: {  	v9 =	vld [tilespmem:$0x30];
	_ =	sdelay $0x4  }
0x49: {  	v10 =	vshrl.u32 v9, $0x3  }
0x4a: {  	v10 =	vmul.u32 $0x30, v10  }
0x4b: {  	v9 =	vand.u32 $0x7, v9  }
0x4c: {  	v9 =	vor.u32 v9, v10  }
0x4d: {  	v10 =	vperm.xlane v9, v1;
	_ =	sdelay $0x1  }
0x4e: {  	v10 =	vadd.s32 v3, v10;
	_ =	sdelay $0x3  }
0x4f: {  	s1 =	simm.s32 $0x9080;
	v9 =	vperm.xlane v9, v2  }
0x50: {  	[tilespmem:s1], [sflag:$0x1] =	stream.indirect_vreg.gather [hbm4b:s2+s3], $0x80, v10, vm0, $0xb8;
	[tilespmem:$0x18080] =	vst v63  }
0x51: {  	s19 =	simm.s32 $0x9880;
	v9 =	vadd.s32 v3, v9  }
0x52: {  	[tilespmem:s19], [sflag:$0x1] =	stream.indirect_vreg.gather [hbm4b:s4+s3], $0x80, v10, vm0, $0xb8;
	[tilespmem:$0x18080] =	vst v63  }
0x53: {  	s20 =	simm.s32 $0xA080  }
0x54: {  	[tilespmem:s20], [sflag:$0x1] =	stream.indirect_vreg.gather [hbm4b:s5+s3], $0x80, v10, vm0, $0xb8;
	[tilespmem:$0x18080] =	vst v63  }
0x55: {  	s1 =	simm.s32 $0xA880  }
0x56: {  	[tilespmem:s1], [sflag:$0x1] =	stream.indirect_vreg.gather [hbm4b:s2+s3], $0x80, v9, vm0, $0xb8;
	[tilespmem:$0x18080] =	vst v63  }
0x57: {  	s19 =	simm.s32 $0xB080  }
0x58: {  	[tilespmem:s19], [sflag:$0x1] =	stream.indirect_vreg.gather [hbm4b:s4+s3], $0x80, v9, vm0, $0xb8;
	[tilespmem:$0x18080] =	vst v63  }
0x59: {  	s20 =	simm.s32 $0xB880  }
0x5a: {  	[tilespmem:s20], [sflag:$0x1] =	stream.indirect_vreg.gather [hbm4b:s5+s3], $0x80, v9, vm0, $0xb8;
	[tilespmem:$0x18080] =	vst v63  }
0x5b: {  	v9 =	vld [tilespmem:$0x0];
	_ =	sdelay $0x4  }
0x5c: {  	v10 =	vshrl.u32 v9, $0x3  }
0x5d: {  	v10 =	vmul.u32 $0x30, v10  }
0x5e: {  	v9 =	vand.u32 $0x7, v9  }
0x5f: {  	v9 =	vor.u32 v9, v10  }
0x60: {  	v10 =	vperm.xlane v9, v1;
	_ =	sdelay $0x1  }
0x61: {  	v10 =	vadd.s32 v3, v10;
	_ =	sdelay $0x3  }
0x62: {  	s0 =	simm.s32 $0xC080;
	v9 =	vperm.xlane v9, v2  }
0x63: {  	[tilespmem:s0], [sflag:$0x2] =	stream.indirect_vreg.gather [hbm4b:s6+s3], $0x80, v10, vm0, $0xb8;
	[tilespmem:$0x18080] =	vst v63  }
0x64: {  	s19 =	sadd.s32 $0x100, s6;
	s20 =	simm.s32 $0xC880;
	v9 =	vadd.s32 v3, v9  }
0x65: {  	[tilespmem:s20], [sflag:$0x2] =	stream.indirect_vreg.gather [hbm4b:s19+s3], $0x80, v10, vm0, $0xb8;
	[tilespmem:$0x18080] =	vst v63  }
0x66: {  	s1 =	simm.s32 $0xD080;
	s20 =	sadd.s32 $0x200, s6  }
0x67: {  	[tilespmem:s1], [sflag:$0x2] =	stream.indirect_vreg.gather [hbm4b:s20+s3], $0x80, v10, vm0, $0xb8;
	[tilespmem:$0x18080] =	vst v63  }
0x68: {  	s1 =	simm.s32 $0xD880  }
0x69: {  	[tilespmem:s1], [sflag:$0x2] =	stream.indirect_vreg.gather [hbm4b:s6+s3], $0x80, v9, vm0, $0xb8;
	[tilespmem:$0x18080] =	vst v63  }
0x6a: {  	s1 =	simm.s32 $0xE080  }
0x6b: {  	[tilespmem:s1], [sflag:$0x2] =	stream.indirect_vreg.gather [hbm4b:s19+s3], $0x80, v9, vm0, $0xb8;
	[tilespmem:$0x18080] =	vst v63  }
0x6c: {  	s1 =	simm.s32 $0xE880  }
0x6d: {  	[tilespmem:s1], [sflag:$0x2] =	stream.indirect_vreg.gather [hbm4b:s20+s3], $0x80, v9, vm0, $0xb8;
	[tilespmem:$0x18080] =	vst v63  }
0x6e: {  	v9 =	vld [tilespmem:$0x10];
	_ =	sdelay $0x4  }
0x6f: {  	v10 =	vshrl.u32 v9, $0x3  }
0x70: {  	v10 =	vmul.u32 $0x30, v10  }
0x71: {  	v9 =	vand.u32 $0x7, v9  }
0x72: {  	v9 =	vor.u32 v9, v10  }
0x73: {  	v10 =	vperm.xlane v9, v1;
	_ =	sdelay $0x1  }
0x74: {  	v10 =	vadd.s32 v3, v10;
	_ =	sdelay $0x3  }
0x75: {  	s1 =	simm.s32 $0xF080;
	v9 =	vperm.xlane v9, v2  }
0x76: {  	[tilespmem:s1], [sflag:$0x2] =	stream.indirect_vreg.gather [hbm4b:s6+s3], $0x80, v10, vm0, $0xb8;
	[tilespmem:$0x18080] =	vst v63  }
0x77: {  	v9 =	vadd.s32 v3, v9;
	s1 =	simm.s32 $0xF880  }
0x78: {  	[tilespmem:s1], [sflag:$0x2] =	stream.indirect_vreg.gather [hbm4b:s19+s3], $0x80, v10, vm0, $0xb8;
	[tilespmem:$0x18080] =	vst v63  }
0x79: {  	s1 =	simm.s32 $0x10080  }
0x7a: {  	[tilespmem:s1], [sflag:$0x2] =	stream.indirect_vreg.gather [hbm4b:s20+s3], $0x80, v10, vm0, $0xb8;
	[tilespmem:$0x18080] =	vst v63  }
0x7b: {  	s1 =	simm.s32 $0x10880  }
0x7c: {  	[tilespmem:s1], [sflag:$0x2] =	stream.indirect_vreg.gather [hbm4b:s6+s3], $0x80, v9, vm0, $0xb8;
	[tilespmem:$0x18080] =	vst v63  }
0x7d: {  	s1 =	simm.s32 $0x11080  }
0x7e: {  	[tilespmem:s1], [sflag:$0x2] =	stream.indirect_vreg.gather [hbm4b:s19+s3], $0x80, v9, vm0, $0xb8;
	[tilespmem:$0x18080] =	vst v63  }
0x7f: {  	s1 =	simm.s32 $0x11880  }
0x80: {  	[tilespmem:s1], [sflag:$0x2] =	stream.indirect_vreg.gather [hbm4b:s20+s3], $0x80, v9, vm0, $0xb8;
	[tilespmem:$0x18080] =	vst v63  }
0x81: {  	v9 =	vld [tilespmem:$0x20];
	_ =	sdelay $0x4  }
0x82: {  	v10 =	vshrl.u32 v9, $0x3  }
0x83: {  	v10 =	vmul.u32 $0x30, v10  }
0x84: {  	v9 =	vand.u32 $0x7, v9  }
0x85: {  	v9 =	vor.u32 v9, v10  }
0x86: {  	v10 =	vperm.xlane v9, v1;
	_ =	sdelay $0x1  }
0x87: {  	v10 =	vadd.s32 v3, v10;
	_ =	sdelay $0x3  }
0x88: {  	s1 =	simm.s32 $0x12080;
	v9 =	vperm.xlane v9, v2  }
0x89: {  	[tilespmem:s1], [sflag:$0x2] =	stream.indirect_vreg.gather [hbm4b:s6+s3], $0x80, v10, vm0, $0xb8;
	[tilespmem:$0x18080] =	vst v63  }
0x8a: {  	v9 =	vadd.s32 v3, v9;
	s1 =	simm.s32 $0x12880  }
0x8b: {  	[tilespmem:s1], [sflag:$0x2] =	stream.indirect_vreg.gather [hbm4b:s19+s3], $0x80, v10, vm0, $0xb8;
	[tilespmem:$0x18080] =	vst v63  }
0x8c: {  	s1 =	simm.s32 $0x13080  }
0x8d: {  	[tilespmem:s1], [sflag:$0x2] =	stream.indirect_vreg.gather [hbm4b:s20+s3], $0x80, v10, vm0, $0xb8;
	[tilespmem:$0x18080] =	vst v63  }
0x8e: {  	s1 =	simm.s32 $0x13880  }
0x8f: {  	[tilespmem:s1], [sflag:$0x2] =	stream.indirect_vreg.gather [hbm4b:s6+s3], $0x80, v9, vm0, $0xb8;
	[tilespmem:$0x18080] =	vst v63  }
0x90: {  	s1 =	simm.s32 $0x14080  }
0x91: {  	[tilespmem:s1], [sflag:$0x2] =	stream.indirect_vreg.gather [hbm4b:s19+s3], $0x80, v9, vm0, $0xb8;
	[tilespmem:$0x18080] =	vst v63  }
0x92: {  	s1 =	simm.s32 $0x14880  }
0x93: {  	[tilespmem:s1], [sflag:$0x2] =	stream.indirect_vreg.gather [hbm4b:s20+s3], $0x80, v9, vm0, $0xb8;
	[tilespmem:$0x18080] =	vst v63  }
0x94: {  	v9 =	vld [tilespmem:$0x30];
	_ =	sdelay $0x4  }
0x95: {  	v10 =	vshrl.u32 v9, $0x3  }
0x96: {  	v10 =	vmul.u32 $0x30, v10  }
0x97: {  	v9 =	vand.u32 $0x7, v9  }
0x98: {  	v9 =	vor.u32 v9, v10  }
0x99: {  	v10 =	vperm.xlane v9, v1;
	_ =	sdelay $0x1  }
0x9a: {  	v10 =	vadd.s32 v3, v10;
	_ =	sdelay $0x3  }
0x9b: {  	s1 =	simm.s32 $0x15080;
	v9 =	vperm.xlane v9, v2  }
0x9c: {  	[tilespmem:s1], [sflag:$0x2] =	stream.indirect_vreg.gather [hbm4b:s6+s3], $0x80, v10, vm0, $0xb8;
	[tilespmem:$0x18080] =	vst v63  }
0x9d: {  	v9 =	vadd.s32 v3, v9;
	s1 =	simm.s32 $0x15880  }
0x9e: {  	[tilespmem:s1], [sflag:$0x2] =	stream.indirect_vreg.gather [hbm4b:s19+s3], $0x80, v10, vm0, $0xb8;
	[tilespmem:$0x18080] =	vst v63  }
0x9f: {  	s1 =	simm.s32 $0x16080  }
0xa0: {  	[tilespmem:s1], [sflag:$0x2] =	stream.indirect_vreg.gather [hbm4b:s20+s3], $0x80, v10, vm0, $0xb8;
	[tilespmem:$0x18080] =	vst v63  }
0xa1: {  	s1 =	simm.s32 $0x16880  }
0xa2: {  	[tilespmem:s1], [sflag:$0x2] =	stream.indirect_vreg.gather [hbm4b:s6+s3], $0x80, v9, vm0, $0xb8;
	[tilespmem:$0x18080] =	vst v63  }
0xa3: {  	s1 =	simm.s32 $0x17080  }
0xa4: {  	[tilespmem:s1], [sflag:$0x2] =	stream.indirect_vreg.gather [hbm4b:s19+s3], $0x80, v9, vm0, $0xb8;
	[tilespmem:$0x18080] =	vst v63  }
0xa5: {  	s1 =	simm.s32 $0x17880  }
0xa6: {  	[tilespmem:s1], [sflag:$0x2] =	stream.indirect_vreg.gather [hbm4b:s20+s3], $0x80, v9, vm0, $0xb8;
	[tilespmem:$0x18080] =	vst v63  }
0xa7: {  	_ =	swait.ge [sflag:s15], $0xC000  }
0xa8: {  	[sflag:s15] =	ssyncset.done $0x0  }
0xa9: {  	s20 =	simm.s32 $0x80;
	s19 =	rddreg [dreg:$0x3];
	[sflag:s15] =	ssyncadd.s32 $0xFFFF4000  }
0xaa: {  	[hbm4b:s19+s3] =	stream.linear.scatter [tilespmem:s20], [sflag:$0x3], $0xC000, $0x38;
	[tilespmem:$0x18080] =	vst v63  }
0xab: {  	_ =	swait.ge [sflag:s16], $0xC000  }
0xac: {  	[sflag:s16] =	ssyncset.done $0x0  }
0xad: {  	[sflag:s16] =	ssyncadd.s32 $0xFFFF4000  }
0xae: {  	v9 =	vld [tilespmem:$0x0];
	_ =	sdelay $0x4  }
0xaf: {  	v10 =	vshrl.u32 v9, $0x3  }
0xb0: {  	v10 =	vmul.u32 $0x30, v10  }
0xb1: {  	v9 =	vand.u32 $0x7, v9  }
0xb2: {  	v9 =	vor.u32 v9, v10  }
0xb3: {  	v10 =	vperm.xlane v9, v1;
	_ =	sdelay $0x1  }
0xb4: {  	v10 =	vadd.s32 v3, v10;
	_ =	sdelay $0x3  }
0xb5: {  	v9 =	vperm.xlane v9, v2  }
0xb6: {  	[tilespmem:s20], [sflag:$0x1] =	stream.indirect_vreg.gather [hbm4b:s7+s3], $0x80, v10, vm0, $0xb8;
	[tilespmem:$0x18080] =	vst v63  }
0xb7: {  	s19 =	sadd.s32 $0x100, s7;
	v9 =	vadd.s32 v3, v9  }
0xb8: {  	[tilespmem:s21], [sflag:$0x1] =	stream.indirect_vreg.gather [hbm4b:s19+s3], $0x80, v10, vm0, $0xb8;
	[tilespmem:$0x18080] =	vst v63  }
0xb9: {  	s20 =	sadd.s32 $0x200, s7  }
0xba: {  	[tilespmem:s22], [sflag:$0x1] =	stream.indirect_vreg.gather [hbm4b:s20+s3], $0x80, v10, vm0, $0xb8;
	[tilespmem:$0x18080] =	vst v63  }
0xbb: {  	_ = 	snop  }
0xbc: {  	[tilespmem:s23], [sflag:$0x1] =	stream.indirect_vreg.gather [hbm4b:s7+s3], $0x80, v9, vm0, $0xb8;
	[tilespmem:$0x18080] =	vst v63  }
0xbd: {  	_ = 	snop  }
0xbe: {  	[tilespmem:s24], [sflag:$0x1] =	stream.indirect_vreg.gather [hbm4b:s19+s3], $0x80, v9, vm0, $0xb8;
	[tilespmem:$0x18080] =	vst v63  }
0xbf: {  	_ = 	snop  }
0xc0: {  	[tilespmem:s25], [sflag:$0x1] =	stream.indirect_vreg.gather [hbm4b:s20+s3], $0x80, v9, vm0, $0xb8;
	[tilespmem:$0x18080] =	vst v63  }
0xc1: {  	v9 =	vld [tilespmem:$0x10];
	_ =	sdelay $0x4  }
0xc2: {  	v10 =	vshrl.u32 v9, $0x3  }
0xc3: {  	v10 =	vmul.u32 $0x30, v10  }
0xc4: {  	v9 =	vand.u32 $0x7, v9  }
0xc5: {  	v9 =	vor.u32 v9, v10  }
0xc6: {  	v10 =	vperm.xlane v9, v1;
	_ =	sdelay $0x1  }
0xc7: {  	v10 =	vadd.s32 v3, v10;
	_ =	sdelay $0x3  }
0xc8: {  	v9 =	vperm.xlane v9, v2  }
0xc9: {  	[tilespmem:s26], [sflag:$0x1] =	stream.indirect_vreg.gather [hbm4b:s7+s3], $0x80, v10, vm0, $0xb8;
	[tilespmem:$0x18080] =	vst v63  }
0xca: {  	v9 =	vadd.s32 v3, v9  }
0xcb: {  	[tilespmem:s28], [sflag:$0x1] =	stream.indirect_vreg.gather [hbm4b:s19+s3], $0x80, v10, vm0, $0xb8;
	[tilespmem:$0x18080] =	vst v63  }
0xcc: {  	_ = 	snop  }
0xcd: {  	[tilespmem:s29], [sflag:$0x1] =	stream.indirect_vreg.gather [hbm4b:s20+s3], $0x80, v10, vm0, $0xb8;
	[tilespmem:$0x18080] =	vst v63  }
0xce: {  	_ = 	snop  }
0xcf: {  	[tilespmem:s30], [sflag:$0x1] =	stream.indirect_vreg.gather [hbm4b:s7+s3], $0x80, v9, vm0, $0xb8;
	[tilespmem:$0x18080] =	vst v63  }
0xd0: {  	_ = 	snop  }
0xd1: {  	[tilespmem:s31], [sflag:$0x1] =	stream.indirect_vreg.gather [hbm4b:s19+s3], $0x80, v9, vm0, $0xb8;
	[tilespmem:$0x18080] =	vst v63  }
0xd2: {  	s21 =	simm.s32 $0x5880  }
0xd3: {  	[tilespmem:s21], [sflag:$0x1] =	stream.indirect_vreg.gather [hbm4b:s20+s3], $0x80, v9, vm0, $0xb8;
	[tilespmem:$0x18080] =	vst v63  }
0xd4: {  	v9 =	vld [tilespmem:$0x20];
	_ =	sdelay $0x4  }
0xd5: {  	v10 =	vshrl.u32 v9, $0x3  }
0xd6: {  	v10 =	vmul.u32 $0x30, v10  }
0xd7: {  	v9 =	vand.u32 $0x7, v9  }
0xd8: {  	v9 =	vor.u32 v9, v10  }
0xd9: {  	v10 =	vperm.xlane v9, v1;
	_ =	sdelay $0x1  }
0xda: {  	v10 =	vadd.s32 v3, v10;
	_ =	sdelay $0x3  }
0xdb: {  	s21 =	simm.s32 $0x6080;
	v9 =	vperm.xlane v9, v2  }
0xdc: {  	[tilespmem:s21], [sflag:$0x1] =	stream.indirect_vreg.gather [hbm4b:s7+s3], $0x80, v10, vm0, $0xb8;
	[tilespmem:$0x18080] =	vst v63  }
0xdd: {  	v9 =	vadd.s32 v3, v9  }
0xde: {  	[tilespmem:s11], [sflag:$0x1] =	stream.indirect_vreg.gather [hbm4b:s19+s3], $0x80, v10, vm0, $0xb8;
	[tilespmem:$0x18080] =	vst v63  }
0xdf: {  	_ = 	snop  }
0xe0: {  	[tilespmem:s13], [sflag:$0x1] =	stream.indirect_vreg.gather [hbm4b:s20+s3], $0x80, v10, vm0, $0xb8;
	[tilespmem:$0x18080] =	vst v63  }
0xe1: {  	_ = 	snop  }
0xe2: {  	[tilespmem:s14], [sflag:$0x1] =	stream.indirect_vreg.gather [hbm4b:s7+s3], $0x80, v9, vm0, $0xb8;
	[tilespmem:$0x18080] =	vst v63  }
0xe3: {  	_ = 	snop  }
0xe4: {  	[tilespmem:s10], [sflag:$0x1] =	stream.indirect_vreg.gather [hbm4b:s19+s3], $0x80, v9, vm0, $0xb8;
	[tilespmem:$0x18080] =	vst v63  }
0xe5: {  	_ = 	snop  }
0xe6: {  	[tilespmem:s12], [sflag:$0x1] =	stream.indirect_vreg.gather [hbm4b:s20+s3], $0x80, v9, vm0, $0xb8;
	[tilespmem:$0x18080] =	vst v63  }
0xe7: {  	v9 =	vld [tilespmem:$0x30];
	_ =	sdelay $0x4  }
0xe8: {  	v10 =	vshrl.u32 v9, $0x3  }
0xe9: {  	v10 =	vmul.u32 $0x30, v10  }
0xea: {  	v9 =	vand.u32 $0x7, v9  }
0xeb: {  	v9 =	vor.u32 v9, v10  }
0xec: {  	v10 =	vperm.xlane v9, v1;
	_ =	sdelay $0x1  }
0xed: {  	v10 =	vadd.s32 v3, v10;
	_ =	sdelay $0x3  }
0xee: {  	s21 =	simm.s32 $0x9080;
	v9 =	vperm.xlane v9, v2  }
0xef: {  	[tilespmem:s21], [sflag:$0x1] =	stream.indirect_vreg.gather [hbm4b:s7+s3], $0x80, v10, vm0, $0xb8;
	[tilespmem:$0x18080] =	vst v63  }
0xf0: {  	v9 =	vadd.s32 v3, v9;
	s21 =	simm.s32 $0x9880  }
0xf1: {  	[tilespmem:s21], [sflag:$0x1] =	stream.indirect_vreg.gather [hbm4b:s19+s3], $0x80, v10, vm0, $0xb8;
	[tilespmem:$0x18080] =	vst v63  }
0xf2: {  	s21 =	simm.s32 $0xA080  }
0xf3: {  	[tilespmem:s21], [sflag:$0x1] =	stream.indirect_vreg.gather [hbm4b:s20+s3], $0x80, v10, vm0, $0xb8;
	[tilespmem:$0x18080] =	vst v63  }
0xf4: {  	s21 =	simm.s32 $0xA880  }
0xf5: {  	[tilespmem:s21], [sflag:$0x1] =	stream.indirect_vreg.gather [hbm4b:s7+s3], $0x80, v9, vm0, $0xb8;
	[tilespmem:$0x18080] =	vst v63  }
0xf6: {  	s21 =	simm.s32 $0xB080  }
0xf7: {  	[tilespmem:s21], [sflag:$0x1] =	stream.indirect_vreg.gather [hbm4b:s19+s3], $0x80, v9, vm0, $0xb8;
	[tilespmem:$0x18080] =	vst v63  }
0xf8: {  	s21 =	simm.s32 $0xB880  }
0xf9: {  	[tilespmem:s21], [sflag:$0x1] =	stream.indirect_vreg.gather [hbm4b:s20+s3], $0x80, v9, vm0, $0xb8;
	[tilespmem:$0x18080] =	vst v63  }
0xfa: {  	_ =	swait.ge [sflag:s17], $0xC000  }
0xfb: {  	[sflag:s17] =	ssyncset.done $0x0  }
0xfc: {  	s10 =	rddreg [dreg:$0x4];
	[sflag:s17] =	ssyncadd.s32 $0xFFFF4000  }
0xfd: {  	[hbm4b:s10+s3] =	stream.linear.scatter [tilespmem:s0], [sflag:$0x4], $0xC000, $0x38;
	[tilespmem:$0x18080] =	vst v63  }
0xfe: {  	_ =	swait.ge [sflag:s18], $0xC000  }
0xff: {  	[sflag:s18] =	ssyncset.done $0x0  }
0x100: {  	[sflag:s18] =	ssyncadd.s32 $0xFFFF4000  }
0x101: {  	v9 =	vld [tilespmem:$0x0];
	_ =	sdelay $0x4  }
0x102: {  	v10 =	vshrl.u32 v9, $0x3  }
0x103: {  	v10 =	vmul.u32 $0x30, v10  }
0x104: {  	v9 =	vand.u32 $0x7, v9  }
0x105: {  	v9 =	vor.u32 v9, v10  }
0x106: {  	v10 =	vperm.xlane v9, v1;
	_ =	sdelay $0x1  }
0x107: {  	v10 =	vadd.s32 v3, v10;
	_ =	sdelay $0x3  }
0x108: {  	v9 =	vperm.xlane v9, v2  }
0x109: {  	[tilespmem:s0], [sflag:$0x2] =	stream.indirect_vreg.gather [hbm4b:s8+s3], $0x80, v10, vm0, $0xb8;
	[tilespmem:$0x18080] =	vst v63  }
0x10a: {  	s19 =	sadd.s32 $0x100, s8;
	s20 =	simm.s32 $0xC880;
	v9 =	vadd.s32 v3, v9  }
0x10b: {  	[tilespmem:s20], [sflag:$0x2] =	stream.indirect_vreg.gather [hbm4b:s19+s3], $0x80, v10, vm0, $0xb8;
	[tilespmem:$0x18080] =	vst v63  }
0x10c: {  	s21 =	simm.s32 $0xD080;
	s20 =	sadd.s32 $0x200, s8  }
0x10d: {  	[tilespmem:s21], [sflag:$0x2] =	stream.indirect_vreg.gather [hbm4b:s20+s3], $0x80, v10, vm0, $0xb8;
	[tilespmem:$0x18080] =	vst v63  }
0x10e: {  	s21 =	simm.s32 $0xD880  }
0x10f: {  	[tilespmem:s21], [sflag:$0x2] =	stream.indirect_vreg.gather [hbm4b:s8+s3], $0x80, v9, vm0, $0xb8;
	[tilespmem:$0x18080] =	vst v63  }
0x110: {  	s21 =	simm.s32 $0xE080  }
0x111: {  	[tilespmem:s21], [sflag:$0x2] =	stream.indirect_vreg.gather [hbm4b:s19+s3], $0x80, v9, vm0, $0xb8;
	[tilespmem:$0x18080] =	vst v63  }
0x112: {  	s21 =	simm.s32 $0xE880  }
0x113: {  	[tilespmem:s21], [sflag:$0x2] =	stream.indirect_vreg.gather [hbm4b:s20+s3], $0x80, v9, vm0, $0xb8;
	[tilespmem:$0x18080] =	vst v63  }
0x114: {  	v9 =	vld [tilespmem:$0x10];
	_ =	sdelay $0x4  }
0x115: {  	v10 =	vshrl.u32 v9, $0x3  }
0x116: {  	v10 =	vmul.u32 $0x30, v10  }
0x117: {  	v9 =	vand.u32 $0x7, v9  }
0x118: {  	v9 =	vor.u32 v9, v10  }
0x119: {  	v10 =	vperm.xlane v9, v1;
	_ =	sdelay $0x1  }
0x11a: {  	v10 =	vadd.s32 v3, v10;
	_ =	sdelay $0x3  }
0x11b: {  	s21 =	simm.s32 $0xF080;
	v9 =	vperm.xlane v9, v2  }
0x11c: {  	[tilespmem:s21], [sflag:$0x2] =	stream.indirect_vreg.gather [hbm4b:s8+s3], $0x80, v10, vm0, $0xb8;
	[tilespmem:$0x18080] =	vst v63  }
0x11d: {  	v9 =	vadd.s32 v3, v9;
	s21 =	simm.s32 $0xF880  }
0x11e: {  	[tilespmem:s21], [sflag:$0x2] =	stream.indirect_vreg.gather [hbm4b:s19+s3], $0x80, v10, vm0, $0xb8;
	[tilespmem:$0x18080] =	vst v63  }
0x11f: {  	s21 =	simm.s32 $0x10080  }
0x120: {  	[tilespmem:s21], [sflag:$0x2] =	stream.indirect_vreg.gather [hbm4b:s20+s3], $0x80, v10, vm0, $0xb8;
	[tilespmem:$0x18080] =	vst v63  }
0x121: {  	s21 =	simm.s32 $0x10880  }
0x122: {  	[tilespmem:s21], [sflag:$0x2] =	stream.indirect_vreg.gather [hbm4b:s8+s3], $0x80, v9, vm0, $0xb8;
	[tilespmem:$0x18080] =	vst v63  }
0x123: {  	s21 =	simm.s32 $0x11080  }
0x124: {  	[tilespmem:s21], [sflag:$0x2] =	stream.indirect_vreg.gather [hbm4b:s19+s3], $0x80, v9, vm0, $0xb8;
	[tilespmem:$0x18080] =	vst v63  }
0x125: {  	s21 =	simm.s32 $0x11880  }
0x126: {  	[tilespmem:s21], [sflag:$0x2] =	stream.indirect_vreg.gather [hbm4b:s20+s3], $0x80, v9, vm0, $0xb8;
	[tilespmem:$0x18080] =	vst v63  }
0x127: {  	v9 =	vld [tilespmem:$0x20];
	_ =	sdelay $0x4  }
0x128: {  	v10 =	vshrl.u32 v9, $0x3  }
0x129: {  	v10 =	vmul.u32 $0x30, v10  }
0x12a: {  	v9 =	vand.u32 $0x7, v9  }
0x12b: {  	v9 =	vor.u32 v9, v10  }
0x12c: {  	v10 =	vperm.xlane v9, v1;
	_ =	sdelay $0x1  }
0x12d: {  	v10 =	vadd.s32 v3, v10;
	_ =	sdelay $0x3  }
0x12e: {  	s21 =	simm.s32 $0x12080;
	v9 =	vperm.xlane v9, v2  }
0x12f: {  	[tilespmem:s21], [sflag:$0x2] =	stream.indirect_vreg.gather [hbm4b:s8+s3], $0x80, v10, vm0, $0xb8;
	[tilespmem:$0x18080] =	vst v63  }
0x130: {  	v9 =	vadd.s32 v3, v9;
	s21 =	simm.s32 $0x12880  }
0x131: {  	[tilespmem:s21], [sflag:$0x2] =	stream.indirect_vreg.gather [hbm4b:s19+s3], $0x80, v10, vm0, $0xb8;
	[tilespmem:$0x18080] =	vst v63  }
0x132: {  	s21 =	simm.s32 $0x13080  }
0x133: {  	[tilespmem:s21], [sflag:$0x2] =	stream.indirect_vreg.gather [hbm4b:s20+s3], $0x80, v10, vm0, $0xb8;
	[tilespmem:$0x18080] =	vst v63  }
0x134: {  	s21 =	simm.s32 $0x13880  }
0x135: {  	[tilespmem:s21], [sflag:$0x2] =	stream.indirect_vreg.gather [hbm4b:s8+s3], $0x80, v9, vm0, $0xb8;
	[tilespmem:$0x18080] =	vst v63  }
0x136: {  	s21 =	simm.s32 $0x14080  }
0x137: {  	[tilespmem:s21], [sflag:$0x2] =	stream.indirect_vreg.gather [hbm4b:s19+s3], $0x80, v9, vm0, $0xb8;
	[tilespmem:$0x18080] =	vst v63  }
0x138: {  	s21 =	simm.s32 $0x14880  }
0x139: {  	[tilespmem:s21], [sflag:$0x2] =	stream.indirect_vreg.gather [hbm4b:s20+s3], $0x80, v9, vm0, $0xb8;
	[tilespmem:$0x18080] =	vst v63  }
0x13a: {  	v9 =	vld [tilespmem:$0x30];
	_ =	sdelay $0x4  }
0x13b: {  	v10 =	vshrl.u32 v9, $0x3  }
0x13c: {  	v10 =	vmul.u32 $0x30, v10  }
0x13d: {  	v9 =	vand.u32 $0x7, v9  }
0x13e: {  	v9 =	vor.u32 v9, v10  }
0x13f: {  	v10 =	vperm.xlane v9, v1;
	_ =	sdelay $0x1  }
0x140: {  	v10 =	vadd.s32 v3, v10;
	_ =	sdelay $0x3  }
0x141: {  	s21 =	simm.s32 $0x15080;
	v9 =	vperm.xlane v9, v2  }
0x142: {  	[tilespmem:s21], [sflag:$0x2] =	stream.indirect_vreg.gather [hbm4b:s8+s3], $0x80, v10, vm0, $0xb8;
	[tilespmem:$0x18080] =	vst v63  }
0x143: {  	v9 =	vadd.s32 v3, v9;
	s21 =	simm.s32 $0x15880  }
0x144: {  	[tilespmem:s21], [sflag:$0x2] =	stream.indirect_vreg.gather [hbm4b:s19+s3], $0x80, v10, vm0, $0xb8;
	[tilespmem:$0x18080] =	vst v63  }
0x145: {  	s21 =	simm.s32 $0x16080  }
0x146: {  	[tilespmem:s21], [sflag:$0x2] =	stream.indirect_vreg.gather [hbm4b:s20+s3], $0x80, v10, vm0, $0xb8;
	[tilespmem:$0x18080] =	vst v63  }
0x147: {  	s21 =	simm.s32 $0x16880  }
0x148: {  	[tilespmem:s21], [sflag:$0x2] =	stream.indirect_vreg.gather [hbm4b:s8+s3], $0x80, v9, vm0, $0xb8;
	[tilespmem:$0x18080] =	vst v63  }
0x149: {  	s21 =	simm.s32 $0x17080  }
0x14a: {  	[tilespmem:s21], [sflag:$0x2] =	stream.indirect_vreg.gather [hbm4b:s19+s3], $0x80, v9, vm0, $0xb8;
	[tilespmem:$0x18080] =	vst v63  }
0x14b: {  	_ = 	snop  }
0x14c: {  	[tilespmem:s1], [sflag:$0x2] =	stream.indirect_vreg.gather [hbm4b:s20+s3], $0x80, v9, vm0, $0xb8;
	[tilespmem:$0x18080] =	vst v63  }
0x14d: {  	_ =	swait.ge [sflag:s15], $0xC000  }
0x14e: {  	[sflag:s15] =	ssyncset.done $0x0  }
0x14f: {  	s20 =	simm.s32 $0x80;
	s10 =	rddreg [dreg:$0x5];
	[sflag:s15] =	ssyncadd.s32 $0xFFFF4000  }
0x150: {  	[hbm4b:s10+s3] =	stream.linear.scatter [tilespmem:s20], [sflag:$0x3], $0xC000, $0x38;
	[tilespmem:$0x18080] =	vst v63  }
0x151: {  	_ =	swait.ge [sflag:s17], $0xC000  }
0x152: {  	[sflag:s17] =	ssyncset.done $0x0  }
0x153: {  	s21 =	rddreg [dreg:$0x6];
	[sflag:s17] =	ssyncadd.s32 $0xFFFF4000  }
0x154: {  	[hbm4b:s21+s3] =	stream.linear.scatter [tilespmem:s0], [sflag:$0x4], $0xC000, $0x38;
	[tilespmem:$0x18080] =	vst v63  }
0x155: {  	p0 =	sne.s32 s9, $0x1;
	_ =	swait.ge [sflag:s16], $0xC000  }
.Ltmp0:
0x156: {  	[sflag:s16] =	ssyncset.done $0x0;
	(pc) =	sbr.rel @p0 .LBB2_1-.Ltmp0, $4  }
0x157: {  	[sflag:s16] =	ssyncadd.s32 $0xFFFF4000  }
0x158: {  	_ =	swait.ge [sflag:s18], $0xC000  }
0x159: {  	[sflag:s18] =	ssyncset.done $0x0  }
0x15a: {  	s9 =	sadd.s32 $0xFFFFFFFF, s9;
	[sflag:s18] =	ssyncadd.s32 $0xFFFF4000  }
0x15b: {  	_ =	sfence.sel $0x180000  }
0x15c: {  	[bflag:$0x0] =	sbarrier.arrive $0xFFFF  }
0x15d: {  	_ =	strace $0x90000047  }
0x15e: {  	s0 =	stileid.u32;
	[bflag:$0x2] =	sbarrier.arrive $0xFFFF  }
0x15f: {  	p0 =	sne.s32 s0, $0x0;
	s0 =	rddreg [dreg:$0x2]  }
0x160: {  	s0 =	sadd.s32 @!p0 $0x100000, s0  }
0x161: {  	[sflag:s0] =	ssyncadd.tile.s32 @!p0 $0x1;
	_ =	shalt  }
.Lfunc_end2:
_tile_overlayer_lowered:
.L_overlay_start_2:
0x162: {  	(tag) =	ssettag $0x2  }
0x163: {  	s0 =	rddreg [dreg:$0x0];
	s2 =	stileid.u32  }
0x164: {  	s1 =	rddreg [dreg:$0x1];
	p0 =	sne.s32 s2, $0x0  }
0x165: {  	s3 =	rddreg [dreg:$0x2];
	[bflag:$0x3] =	sbarrier.arrive $0xFFFF;
	s2 =	simm.s32 @!p0 $0x1C05  }
0x166: {  	[timem:s3], [sflag:s2] =	dma.local @!p0 [hbm:s0], s1  }
0x167: {  	s0 =	simm.s32 @!p0 $0x5  }
0x168: {  	_ =	swait.ge @!p0 [sflag:s0], s1  }
0x169: {  	s1 =	ssub.s32 @!p0 $0x0, s1;
	[sflag:s0] =	ssyncset.done @!p0 $0x0  }
0x16a: {  	[sflag:s0] =	ssyncadd.s32 @!p0 s1  }
0x16b: {  	[bflag:$0x3] =	sbarrier.arrive $0xFFFF  }
0x16c: {  	_ =	shalt  }

</sc_bundles>
